<compile_context>
chip_gen: v7x
topology: tpu7x:2x2x1
jax: 0.10.2.dev20260603
libtpu: 0.0.44.dev20260713+nightly
codegen_flags: <defaults>
</compile_context>

<pallas_src>
import jax
import jax.numpy as jnp
from jax import lax
from jax.experimental import pallas as pl
from jax.experimental.pallas import tpu as pltpu
from jax.experimental.pallas import tpu_sc as plsc

E = 8
D = 1024
T_MAX = 1000.0
TAU_MIN, TAU_MAX = 0.5, 2.0
CAP_LOW, CAP_HIGH = 0.5, 0.6
FLOOR_BASE = 0.05
ALPHA = min(min(FLOOR_BASE, 0.15 / E) * E, 1.0)
FLOOR_ADD = ALPHA / E
TC_BLK = 2048
NW = 32
N_C = 4096
CHUNK_C = 512


def _tc_logits_body(x_ref, w_ref, o_ref):
    o_ref[...] = lax.dot_general(
        w_ref[...], x_ref[...], (((0,), (1,)), ((), ())),
        preferred_element_type=jnp.float32)


def _tc_logits_C(x_C, W_C):
    B = x_C.shape[0]
    blk = 4096
    nblk = B * N_C // blk
    return pl.pallas_call(
        _tc_logits_body,
        grid=(nblk,),
        in_specs=[
            pl.BlockSpec((blk, D), lambda s: (s, 0)),
            pl.BlockSpec((D, E), lambda s: (0, 0)),
        ],
        out_specs=pl.BlockSpec((E, blk), lambda s: (0, s)),
        out_shape=jax.ShapeDtypeStruct((E, B * N_C), jnp.float32),
    )(x_C.reshape(-1, D), W_C)


def _sc_router_body(l_hbm, p_hbm, out_hbm, l_v, w_t, p_v):
    wid = lax.axis_index("s") * 2 + lax.axis_index("c")
    b = wid // 8
    j = lax.rem(wid, 8)
    pltpu.sync_copy(l_hbm.at[:, pl.ds(wid * CHUNK_C, CHUNK_C)], l_v)
    pltpu.sync_copy(p_hbm.at[wid], p_v)
    inv_tau = p_v[0, :]
    cap = p_v[1, :]
    keep = p_v[2, :]

    def step(i, carry):
        sl = pl.ds(i * 16, 16)
        l = [l_v[e, sl] for e in range(E)]
        m = l[0]
        for e in range(1, E):
            m = jnp.maximum(m, l[e])
        p = [jnp.exp((l[e] - m) * inv_tau) for e in range(E)]
        s = p[0]
        for e in range(1, E):
            s = s + p[e]
        r = (1.0 - ALPHA) / s
        mixed = [p[e] * r + FLOOR_ADD for e in range(E)]
        m1 = mixed[0]
        for e in range(1, E):
            m1 = jnp.maximum(m1, mixed[e])
        mk = [jnp.where(mixed[e] >= m1, mixed[e], 0.0) for e in range(E)]
        ms = mk[0]
        for e in range(1, E):
            ms = ms + mk[e]
        inv_ms = 1.0 / jnp.maximum(ms, 1e-9)
        w = [mk[e] * inv_ms for e in range(E)]
        ex = [jnp.maximum(w[e] - cap, 0.0) for e in range(E)]
        exs = ex[0]
        for e in range(1, E):
            exs = exs + ex[e]
        cl = [w[e] - ex[e] for e in range(E)]
        hr = [jnp.maximum(cap - cl[e], 0.0) for e in range(E)]
        hs = hr[0]
        for e in range(1, E):
            hs = hs + hr[e]
        f = exs / jnp.maximum(hs, 1e-8)
        for e in range(E):
            w_t[e, sl] = (cl[e] + f * hr[e]) * keep
        return carry

    lax.fori_loop(0, CHUNK_C // 16, step, 0)
    pltpu.sync_copy(w_t, out_hbm.at[b, :, pl.ds(j * CHUNK_C, CHUNK_C)])


def _sc_router_C(l_C, params, B):
    mesh = plsc.VectorSubcoreMesh(core_axis_name="c", subcore_axis_name="s")
    out = pl.kernel(
        _sc_router_body,
        out_type=jax.ShapeDtypeStruct((B, E, N_C), jnp.float32),
        mesh=mesh,
        scratch_types=[
            pltpu.VMEM((E, CHUNK_C), jnp.float32),
            pltpu.VMEM((E, CHUNK_C), jnp.float32),
            pltpu.VMEM((4, 16), jnp.float32),
        ],
        compiler_params=pltpu.CompilerParams(skip_device_barrier=True),
    )(l_C, params)
    return jnp.swapaxes(out, 1, 2)


def _tc_route2_body(x_ref, w_ref, scal_ref, o_ref):
    bidx = pl.program_id(0)
    inv_tau = scal_ref[0, bidx]
    cap = scal_ref[1, bidx]
    keep = scal_ref[2, bidx]
    l = lax.dot_general(
        w_ref[...], x_ref[...], (((0,), (1,)), ((), ())),
        preferred_element_type=jnp.float32)
    m = jnp.max(l, axis=0, keepdims=True)
    p = jnp.exp((l - m) * inv_tau)
    s = jnp.sum(p, axis=0, keepdims=True)
    mixed = p * ((1.0 - ALPHA) / s) + FLOOR_ADD
    m1 = mixed[0:1, :]
    m2 = jnp.zeros_like(m1)
    for e in range(1, E):
        row = mixed[e:e + 1, :]
        gt = row > m1
        m2 = jnp.where(gt, m1, jnp.maximum(m2, row))
        m1 = jnp.where(gt, row, m1)
    mk = jnp.where(mixed >= m2, mixed, 0.0)
    ms = jnp.sum(mk, axis=0, keepdims=True)
    w = mk / jnp.maximum(ms, 1e-9)
    ex = jnp.maximum(w - cap, 0.0)
    cl = w - ex
    hr = jnp.maximum(cap - cl, 0.0)
    hs = jnp.maximum(jnp.sum(hr, axis=0, keepdims=True), 1e-8)
    f = jnp.sum(ex, axis=0, keepdims=True) / hs
    o_ref[...] = (cl + f * hr) * keep


def _tc_route2(x, W, scals):
    B, N, _ = x.shape
    nblk = B * N // TC_BLK
    out = pl.pallas_call(
        _tc_route2_body,
        grid=(nblk,),
        in_specs=[
            pl.BlockSpec((TC_BLK, D), lambda s: (s, 0)),
            pl.BlockSpec((D, E), lambda s: (0, 0)),
            pl.BlockSpec(memory_space=pltpu.SMEM),
        ],
        out_specs=pl.BlockSpec((E, TC_BLK), lambda s: (0, s)),
        out_shape=jax.ShapeDtypeStruct((E, B * N), jnp.float32),
    )(x.reshape(-1, D), W, scals)
    return out.reshape(E, B, N).transpose(1, 2, 0)


def kernel(x_A, x_C, x_B, t, W_A, W_C, W_B):
    B = x_A.shape[0]
    t_norm = t.astype(jnp.float32) / T_MAX
    inv_tau = 1.0 / (TAU_MIN + (TAU_MAX - TAU_MIN) * t_norm)
    cap = CAP_LOW + (CAP_HIGH - CAP_LOW) * t_norm
    ones = jnp.ones_like(t_norm)
    keep_C = (t_norm >= 0.2).astype(jnp.float32)
    keep_B = (t_norm <= 0.7).astype(jnp.float32)

    scals_A = jnp.stack([inv_tau, cap, ones])
    scals_B = jnp.stack([inv_tau, cap, keep_B])

    pcols = jnp.stack([inv_tau, cap, keep_C, ones], axis=1)
    params = jnp.broadcast_to(pcols[:, None, :, None], (B, 8, 4, 16))
    params = params.reshape(NW, 4, 16).astype(jnp.float32)

    l_C = _tc_logits_C(x_C, W_C)
    w_C = _sc_router_C(l_C, params, B)
    w_A = _tc_route2(x_A, W_A, scals_A)
    w_B = _tc_route2(x_B, W_B, scals_B)
    return jnp.concatenate([w_A, w_C, w_B], axis=1)

# --- scband reference (transcript-rebuilt; emitter-appended) ---
"""Pipeline reference for scband-modality-mo-erouter-78288663872365 (READ-ONLY COPY).

The authoritative reference and input builder live on the scoring server;
editing this copy changes nothing except your own understanding.
"""

import jax, jax.numpy as jnp
import numpy as np

T_MAX = 1000
TAU_MIN, TAU_MAX = 0.5, 2.0
CAP_LOW, CAP_HIGH = 0.5, 0.6
FLOOR_BASE = 0.05
T_SKIP_C = 0.2
T_SKIP_B = 0.7
E = 8
D = 1024


def _route_group(x, W, t, top_k, skip_mask):
    # gate logits with timestep-modulated temperature
    logits = jnp.einsum('bnd,de->bne', x, W)
    t_norm = t.astype(jnp.float32) / T_MAX
    tau = TAU_MIN + (TAU_MAX - TAU_MIN) * t_norm
    probs = jax.nn.softmax(logits / tau[:, None, None], axis=-1)
    # budget-aware routing floor: eps = min(base, 0.15/E), interpolate with uniform
    eff_floor = min(FLOOR_BASE, 0.15 / E)
    alpha = min(eff_floor * E, 1.0)
    probs = (1.0 - alpha) * probs + alpha * (1.0 / E)
    # top-k mask (scatter top-k values into zeros)
    vals, idx = jax.lax.top_k(probs, top_k)
    onehot = jax.nn.one_hot(idx, E, dtype=probs.dtype).sum(axis=-2)
    masked = probs * onehot
    w = masked / jnp.clip(masked.sum(-1, keepdims=True), 1e-9, None)
    # token-level hard cap with proportional redistribution (no-grad op)
    cap = (CAP_LOW + (CAP_HIGH - CAP_LOW) * t_norm)[:, None, None]
    excess = jax.nn.relu(w - cap)
    clipped = w - excess
    headroom = jax.nn.relu(cap - clipped)
    hs = jnp.clip(headroom.sum(-1, keepdims=True), 1e-8, None)
    capped = clipped + excess.sum(-1, keepdims=True) * (headroom / hs)
    w = w + jax.lax.stop_gradient(capped - w)
    # DyDiT skip: zero routing weights for skipped samples (identity bypass)
    w = jnp.where(skip_mask[:, None, None], 0.0, w)
    return w


def setup_inputs(seed: int = 0) -> dict:
    key = jax.random.key(seed)
    k = [jax.random.fold_in(key, i) for i in range(8)]
    x_A = jax.random.normal(k[0], (4, 2048, D), dtype=jnp.float32)
    x_C = jax.random.normal(k[1], (4, 4096, D), dtype=jnp.float32)
    x_B = jax.random.normal(k[2], (4, 2048, D), dtype=jnp.float32)
    t = jax.random.randint(k[3], (4,), 0, 1000)
    W_A = jax.random.normal(k[4], (D, E), dtype=jnp.float32) * 0.02
    W_C = jax.random.normal(k[5], (D, E), dtype=jnp.float32) * 0.02
    W_B = jax.random.normal(k[6], (D, E), dtype=jnp.float32) * 0.02
    return {'x_A': x_A, 'x_C': x_C, 'x_B': x_B, 't': t, 'W_A': W_A, 'W_C': W_C, 'W_B': W_B}


def reference(x_A, x_C, x_B, t, W_A, W_C, W_B):
    t_norm = t.astype(jnp.float32) / T_MAX
    skip_A = jnp.zeros(t.shape[0], dtype=bool)
    skip_C = t_norm < T_SKIP_C
    skip_B = t_norm > T_SKIP_B
    w_A = _route_group(x_A, W_A, t, 2, skip_A)
    w_C = _route_group(x_C, W_C, t, 1, skip_C)
    w_B = _route_group(x_B, W_B, t, 2, skip_B)
    # tokens concatenated in [A | C | B] order (matches DirectedAttentionMask)
    return jnp.concatenate([w_A, w_C, w_B], axis=1)

if __name__ == "__main__":
    import jax
    _d = setup_inputs()
    print(jax.jit(kernel)(*tuple(_d.values())))

</pallas_src>

<mosaic_0001>
#map = affine_map<(d0, d1) -> (0, 0)>
#map1 = affine_map<(d0, d1) -> (0, 0, 0)>
module attributes {stable_mosaic.version = 14 : i64} {
  func.func @_sc_router_body(%arg0: i32, %arg1: i32, %arg2: memref<8x16384xf32, #tpu.memory_space<hbm>>, %arg3: memref<32x4x16xf32, #tpu.memory_space<hbm>>, %arg4: memref<4x8x4096xf32, #tpu.memory_space<hbm>>, %arg5: memref<8x512xf32, #tpu.memory_space<vmem>>, %arg6: memref<8x512xf32, #tpu.memory_space<vmem>>, %arg7: memref<4x16xf32, #tpu.memory_space<vmem>>) attributes {dimension_semantics = [#tpu.dimension_semantics<core_parallel>, #tpu.dimension_semantics<subcore_parallel>], iteration_bounds = array<i64: 2, 16>, scalar_prefetch = 0 : i64, scratch_operands = 3 : i64, tpu.core_type = #tpu.core_type<sc_vector_subcore>, window_params = [{transform_indices = #map}, {transform_indices = #map1}, {transform_indices = #map1}]} {
    %mul3A = arith.constant 2 : i32
    %mul3A_0 = arith.muli %arg1, %mul3A : i32
    %add3A = arith.addi %mul3A_0, %arg0 : i32
    %jit3A = arith.constant 8 : i32
    %div3A = arith.divsi %add3A, %jit3A : i32
    %sign3A = arith.constant 0 : i32
    %sign3A_1 = arith.cmpi sgt, %add3A, %sign3A : i32
    %sign3A_2 = arith.extui %sign3A_1 : i1 to i32
    %sign3A_3 = arith.constant 0 : i32
    %sign3A_4 = arith.cmpi slt, %add3A, %sign3A_3 : i32
    %sign3A_5 = arith.extui %sign3A_4 : i1 to i32
    %sign3A_6 = arith.subi %sign3A_2, %sign3A_5 : i32
    %sign3A_7 = arith.constant 0 : i32
    %sign3A_8 = arith.cmpi sgt, %jit3A, %sign3A_7 : i32
    %sign3A_9 = arith.extui %sign3A_8 : i1 to i32
    %sign3A_10 = arith.constant 0 : i32
    %sign3A_11 = arith.cmpi slt, %jit3A, %sign3A_10 : i32
    %sign3A_12 = arith.extui %sign3A_11 : i1 to i32
    %sign3A_13 = arith.subi %sign3A_9, %sign3A_12 : i32
    %ne3A = arith.cmpi ne, %sign3A_6, %sign3A_13 : i32
    %rem3A = arith.remsi %add3A, %jit3A : i32
    %ne3A_14 = arith.constant 0 : i32
    %ne3A_15 = arith.cmpi ne, %rem3A, %ne3A_14 : i32
    %and3A = arith.andi %ne3A, %ne3A_15 : i1
    %sub3A = arith.constant 1 : i32
    %sub3A_16 = arith.subi %div3A, %sub3A : i32
    %select_n3A = arith.select %and3A, %sub3A_16, %div3A : i32
    %rem3A_17 = arith.constant 8 : i32
    %rem3A_18 = arith.remsi %add3A, %rem3A_17 : i32
    %mul3A_19 = arith.constant 512 : i32
    %mul3A_20 = arith.muli %add3A, %mul3A_19 : i32
    "tpu.region"() ({
      %run_scoped3A = tpu.sem_alloc : memref<!tpu.dma_semaphore, #tpu.memory_space<semaphore_mem>>
      %dma_start3A = arith.constant 0 : i32
      %dma_start3A_42 = tpu.memref_slice %arg2[%dma_start3A, %mul3A_20] : memref<8x16384xf32, #tpu.memory_space<hbm>> -> memref<8x512xf32, #tpu.memory_space<hbm>>
      %dma_start3A_43 = arith.constant 0 : i32
      %dma_start3A_44 = tpu.memref_slice %arg2[%dma_start3A_43, %mul3A_20] : memref<8x16384xf32, #tpu.memory_space<hbm>> -> memref<8x512xf32, #tpu.memory_space<hbm>>
      tpu.enqueue_dma source(%dma_start3A_44 : memref<8x512xf32, #tpu.memory_space<hbm>>) target(%arg5 : memref<8x512xf32, #tpu.memory_space<vmem>>) target_semaphore(%run_scoped3A : memref<!tpu.dma_semaphore, #tpu.memory_space<semaphore_mem>>)
      %dma_wait3A = arith.constant 0 : i32
      %dma_wait3A_45 = tpu.memref_slice %arg2[%dma_wait3A, %mul3A_20] : memref<8x16384xf32, #tpu.memory_space<hbm>> -> memref<8x512xf32, #tpu.memory_space<hbm>>
      %dma_wait3A_46 = arith.constant 0 : i32
      %dma_wait3A_47 = tpu.memref_slice %arg2[%dma_wait3A_46, %mul3A_20] : memref<8x16384xf32, #tpu.memory_space<hbm>> -> memref<8x512xf32, #tpu.memory_space<hbm>>
      tpu.wait_dma2 semaphore(%run_scoped3A : memref<!tpu.dma_semaphore, #tpu.memory_space<semaphore_mem>>) src(%dma_wait3A_47 : memref<8x512xf32, #tpu.memory_space<hbm>>) dst(%arg5 : memref<8x512xf32, #tpu.memory_space<vmem>>)
      tpu.yield
    }) : () -> ()
    "tpu.region"() ({
      %run_scoped3A = tpu.sem_alloc : memref<!tpu.dma_semaphore, #tpu.memory_space<semaphore_mem>>
      %dma_start3A = arith.constant 0 : i32
      %dma_start3A_42 = arith.constant 0 : i32
      %dma_start3A_43 = tpu.memref_slice %arg3[%add3A, %dma_start3A, %dma_start3A_42] : memref<32x4x16xf32, #tpu.memory_space<hbm>> -> memref<1x4x16xf32, #tpu.memory_space<hbm>>
      %dma_start3A_44 = tpu.memref_squeeze %dma_start3A_43 : memref<1x4x16xf32, #tpu.memory_space<hbm>> -> memref<4x16xf32, #tpu.memory_space<hbm>>
      %dma_start3A_45 = arith.constant 0 : i32
      %dma_start3A_46 = arith.constant 0 : i32
      %dma_start3A_47 = tpu.memref_slice %arg3[%add3A, %dma_start3A_45, %dma_start3A_46] : memref<32x4x16xf32, #tpu.memory_space<hbm>> -> memref<1x4x16xf32, #tpu.memory_space<hbm>>
      %dma_start3A_48 = tpu.memref_squeeze %dma_start3A_47 : memref<1x4x16xf32, #tpu.memory_space<hbm>> -> memref<4x16xf32, #tpu.memory_space<hbm>>
      tpu.enqueue_dma source(%dma_start3A_48 : memref<4x16xf32, #tpu.memory_space<hbm>>) target(%arg7 : memref<4x16xf32, #tpu.memory_space<vmem>>) target_semaphore(%run_scoped3A : memref<!tpu.dma_semaphore, #tpu.memory_space<semaphore_mem>>)
      %dma_wait3A = arith.constant 0 : i32
      %dma_wait3A_49 = arith.constant 0 : i32
      %dma_wait3A_50 = tpu.memref_slice %arg3[%add3A, %dma_wait3A, %dma_wait3A_49] : memref<32x4x16xf32, #tpu.memory_space<hbm>> -> memref<1x4x16xf32, #tpu.memory_space<hbm>>
      %dma_wait3A_51 = tpu.memref_squeeze %dma_wait3A_50 : memref<1x4x16xf32, #tpu.memory_space<hbm>> -> memref<4x16xf32, #tpu.memory_space<hbm>>
      %dma_wait3A_52 = arith.constant 0 : i32
      %dma_wait3A_53 = arith.constant 0 : i32
      %dma_wait3A_54 = tpu.memref_slice %arg3[%add3A, %dma_wait3A_52, %dma_wait3A_53] : memref<32x4x16xf32, #tpu.memory_space<hbm>> -> memref<1x4x16xf32, #tpu.memory_space<hbm>>
      %dma_wait3A_55 = tpu.memref_squeeze %dma_wait3A_54 : memref<1x4x16xf32, #tpu.memory_space<hbm>> -> memref<4x16xf32, #tpu.memory_space<hbm>>
      tpu.wait_dma2 semaphore(%run_scoped3A : memref<!tpu.dma_semaphore, #tpu.memory_space<semaphore_mem>>) src(%dma_wait3A_55 : memref<4x16xf32, #tpu.memory_space<hbm>>) dst(%arg7 : memref<4x16xf32, #tpu.memory_space<vmem>>)
      tpu.yield
    }) : () -> ()
    %get3A = arith.constant 0 : i32
    %get3A_21 = arith.index_cast %get3A : i32 to index
    %get3A_22 = arith.constant 0 : index
    %get3A_23 = tpu.vector_load %arg7[%get3A_21, %get3A_22] {strides = array<i32>} : memref<4x16xf32, #tpu.memory_space<vmem>>, vector<1x16xf32>,
    %get3A_24 = vector.shape_cast %get3A_23 : vector<1x16xf32> to vector<16xf32>
    %get3A_25 = arith.constant 1 : i32
    %get3A_26 = arith.index_cast %get3A_25 : i32 to index
    %get3A_27 = arith.constant 0 : index
    %get3A_28 = tpu.vector_load %arg7[%get3A_26, %get3A_27] {strides = array<i32>} : memref<4x16xf32, #tpu.memory_space<vmem>>, vector<1x16xf32>,
    %get3A_29 = vector.shape_cast %get3A_28 : vector<1x16xf32> to vector<16xf32>
    %get3A_30 = arith.constant 2 : i32
    %get3A_31 = arith.index_cast %get3A_30 : i32 to index
    %get3A_32 = arith.constant 0 : index
    %get3A_33 = tpu.vector_load %arg7[%get3A_31, %get3A_32] {strides = array<i32>} : memref<4x16xf32, #tpu.memory_space<vmem>>, vector<1x16xf32>,
    %get3A_34 = vector.shape_cast %get3A_33 : vector<1x16xf32> to vector<16xf32>
    %scan3A = arith.constant 0 : i32
    %scan3A_35 = arith.constant 0 : i32
    %scan3A_36 = arith.constant 32 : i32
    %scan3A_37 = arith.addi %scan3A_35, %scan3A_36 : i32
    %scan3A_38 = arith.constant 1 : i32
    scf.for %scan3A_42 = %scan3A_35 to %scan3A_37 step %scan3A_38  : i32 {
      %mul3A_43 = arith.constant 16 : i32
      %mul3A_44 = arith.muli %scan3A_42, %mul3A_43 : i32
      %get3A_45 = arith.constant 0 : i32
      %get3A_46 = arith.index_cast %get3A_45 : i32 to index
      %get3A_47 = arith.index_cast %mul3A_44 : i32 to index
      %get3A_48 = tpu.vector_load %arg5[%get3A_46, %get3A_47] {strides = array<i32>} : memref<8x512xf32, #tpu.memory_space<vmem>>, vector<1x16xf32>,
      %get3A_49 = vector.shape_cast %get3A_48 : vector<1x16xf32> to vector<16xf32>
      %get3A_50 = arith.constant 1 : i32
      %get3A_51 = arith.index_cast %get3A_50 : i32 to index
      %get3A_52 = arith.index_cast %mul3A_44 : i32 to index
      %get3A_53 = tpu.vector_load %arg5[%get3A_51, %get3A_52] {strides = array<i32>} : memref<8x512xf32, #tpu.memory_space<vmem>>, vector<1x16xf32>,
      %get3A_54 = vector.shape_cast %get3A_53 : vector<1x16xf32> to vector<16xf32>
      %get3A_55 = arith.constant 2 : i32
      %get3A_56 = arith.index_cast %get3A_55 : i32 to index
      %get3A_57 = arith.index_cast %mul3A_44 : i32 to index
      %get3A_58 = tpu.vector_load %arg5[%get3A_56, %get3A_57] {strides = array<i32>} : memref<8x512xf32, #tpu.memory_space<vmem>>, vector<1x16xf32>,
      %get3A_59 = vector.shape_cast %get3A_58 : vector<1x16xf32> to vector<16xf32>
      %get3A_60 = arith.constant 3 : i32
      %get3A_61 = arith.index_cast %get3A_60 : i32 to index
      %get3A_62 = arith.index_cast %mul3A_44 : i32 to index
      %get3A_63 = tpu.vector_load %arg5[%get3A_61, %get3A_62] {strides = array<i32>} : memref<8x512xf32, #tpu.memory_space<vmem>>, vector<1x16xf32>,
      %get3A_64 = vector.shape_cast %get3A_63 : vector<1x16xf32> to vector<16xf32>
      %get3A_65 = arith.constant 4 : i32
      %get3A_66 = arith.index_cast %get3A_65 : i32 to index
      %get3A_67 = arith.index_cast %mul3A_44 : i32 to index
      %get3A_68 = tpu.vector_load %arg5[%get3A_66, %get3A_67] {strides = array<i32>} : memref<8x512xf32, #tpu.memory_space<vmem>>, vector<1x16xf32>,
      %get3A_69 = vector.shape_cast %get3A_68 : vector<1x16xf32> to vector<16xf32>
      %get3A_70 = arith.constant 5 : i32
      %get3A_71 = arith.index_cast %get3A_70 : i32 to index
      %get3A_72 = arith.index_cast %mul3A_44 : i32 to index
      %get3A_73 = tpu.vector_load %arg5[%get3A_71, %get3A_72] {strides = array<i32>} : memref<8x512xf32, #tpu.memory_space<vmem>>, vector<1x16xf32>,
      %get3A_74 = vector.shape_cast %get3A_73 : vector<1x16xf32> to vector<16xf32>
      %get3A_75 = arith.constant 6 : i32
      %get3A_76 = arith.index_cast %get3A_75 : i32 to index
      %get3A_77 = arith.index_cast %mul3A_44 : i32 to index
      %get3A_78 = tpu.vector_load %arg5[%get3A_76, %get3A_77] {strides = array<i32>} : memref<8x512xf32, #tpu.memory_space<vmem>>, vector<1x16xf32>,
      %get3A_79 = vector.shape_cast %get3A_78 : vector<1x16xf32> to vector<16xf32>
      %get3A_80 = arith.constant 7 : i32
      %get3A_81 = arith.index_cast %get3A_80 : i32 to index
      %get3A_82 = arith.index_cast %mul3A_44 : i32 to index
      %get3A_83 = tpu.vector_load %arg5[%get3A_81, %get3A_82] {strides = array<i32>} : memref<8x512xf32, #tpu.memory_space<vmem>>, vector<1x16xf32>,
      %get3A_84 = vector.shape_cast %get3A_83 : vector<1x16xf32> to vector<16xf32>
      %max3A = arith.maximumf %get3A_49, %get3A_54 : vector<16xf32>
      %max3A_85 = arith.maximumf %max3A, %get3A_59 : vector<16xf32>
      %max3A_86 = arith.maximumf %max3A_85, %get3A_64 : vector<16xf32>
      %max3A_87 = arith.maximumf %max3A_86, %get3A_69 : vector<16xf32>
      %max3A_88 = arith.maximumf %max3A_87, %get3A_74 : vector<16xf32>
      %max3A_89 = arith.maximumf %max3A_88, %get3A_79 : vector<16xf32>
      %max3A_90 = arith.maximumf %max3A_89, %get3A_84 : vector<16xf32>
      %sub3A_91 = arith.subf %get3A_49, %max3A_90 : vector<16xf32>
      %mul3A_92 = arith.mulf %sub3A_91, %get3A_24 : vector<16xf32>
      %exp3A = math.exp %mul3A_92 : vector<16xf32>
      %sub3A_93 = arith.subf %get3A_54, %max3A_90 : vector<16xf32>
      %mul3A_94 = arith.mulf %sub3A_93, %get3A_24 : vector<16xf32>
      %exp3A_95 = math.exp %mul3A_94 : vector<16xf32>
      %sub3A_96 = arith.subf %get3A_59, %max3A_90 : vector<16xf32>
      %mul3A_97 = arith.mulf %sub3A_96, %get3A_24 : vector<16xf32>
      %exp3A_98 = math.exp %mul3A_97 : vector<16xf32>
      %sub3A_99 = arith.subf %get3A_64, %max3A_90 : vector<16xf32>
      %mul3A_100 = arith.mulf %sub3A_99, %get3A_24 : vector<16xf32>
      %exp3A_101 = math.exp %mul3A_100 : vector<16xf32>
      %sub3A_102 = arith.subf %get3A_69, %max3A_90 : vector<16xf32>
      %mul3A_103 = arith.mulf %sub3A_102, %get3A_24 : vector<16xf32>
      %exp3A_104 = math.exp %mul3A_103 : vector<16xf32>
      %sub3A_105 = arith.subf %get3A_74, %max3A_90 : vector<16xf32>
      %mul3A_106 = arith.mulf %sub3A_105, %get3A_24 : vector<16xf32>
      %exp3A_107 = math.exp %mul3A_106 : vector<16xf32>
      %sub3A_108 = arith.subf %get3A_79, %max3A_90 : vector<16xf32>
      %mul3A_109 = arith.mulf %sub3A_108, %get3A_24 : vector<16xf32>
      %exp3A_110 = math.exp %mul3A_109 : vector<16xf32>
      %sub3A_111 = arith.subf %get3A_84, %max3A_90 : vector<16xf32>
      %mul3A_112 = arith.mulf %sub3A_111, %get3A_24 : vector<16xf32>
      %exp3A_113 = math.exp %mul3A_112 : vector<16xf32>
      %add3A_114 = arith.addf %exp3A, %exp3A_95 : vector<16xf32>
      %add3A_115 = arith.addf %add3A_114, %exp3A_98 : vector<16xf32>
      %add3A_116 = arith.addf %add3A_115, %exp3A_101 : vector<16xf32>
      %add3A_117 = arith.addf %add3A_116, %exp3A_104 : vector<16xf32>
      %add3A_118 = arith.addf %add3A_117, %exp3A_107 : vector<16xf32>
      %add3A_119 = arith.addf %add3A_118, %exp3A_110 : vector<16xf32>
      %add3A_120 = arith.addf %add3A_119, %exp3A_113 : vector<16xf32>
      %div3A_121 = arith.constant 8.500000e-01 : f32
      %div3A_122 = vector.broadcast %div3A_121 : f32 to vector<16xf32>
      %div3A_123 = arith.divf %div3A_122, %add3A_120 : vector<16xf32>
      %mul3A_124 = arith.mulf %exp3A, %div3A_123 : vector<16xf32>
      %add3A_125 = arith.constant 1.875000e-02 : f32
      %add3A_126 = vector.broadcast %add3A_125 : f32 to vector<16xf32>
      %add3A_127 = arith.addf %mul3A_124, %add3A_126 : vector<16xf32>
      %mul3A_128 = arith.mulf %exp3A_95, %div3A_123 : vector<16xf32>
      %add3A_129 = arith.constant 1.875000e-02 : f32
      %add3A_130 = vector.broadcast %add3A_129 : f32 to vector<16xf32>
      %add3A_131 = arith.addf %mul3A_128, %add3A_130 : vector<16xf32>
      %mul3A_132 = arith.mulf %exp3A_98, %div3A_123 : vector<16xf32>
      %add3A_133 = arith.constant 1.875000e-02 : f32
      %add3A_134 = vector.broadcast %add3A_133 : f32 to vector<16xf32>
      %add3A_135 = arith.addf %mul3A_132, %add3A_134 : vector<16xf32>
      %mul3A_136 = arith.mulf %exp3A_101, %div3A_123 : vector<16xf32>
      %add3A_137 = arith.constant 1.875000e-02 : f32
      %add3A_138 = vector.broadcast %add3A_137 : f32 to vector<16xf32>
      %add3A_139 = arith.addf %mul3A_136, %add3A_138 : vector<16xf32>
      %mul3A_140 = arith.mulf %exp3A_104, %div3A_123 : vector<16xf32>
      %add3A_141 = arith.constant 1.875000e-02 : f32
      %add3A_142 = vector.broadcast %add3A_141 : f32 to vector<16xf32>
      %add3A_143 = arith.addf %mul3A_140, %add3A_142 : vector<16xf32>
      %mul3A_144 = arith.mulf %exp3A_107, %div3A_123 : vector<16xf32>
      %add3A_145 = arith.constant 1.875000e-02 : f32
      %add3A_146 = vector.broadcast %add3A_145 : f32 to vector<16xf32>
      %add3A_147 = arith.addf %mul3A_144, %add3A_146 : vector<16xf32>
      %mul3A_148 = arith.mulf %exp3A_110, %div3A_123 : vector<16xf32>
      %add3A_149 = arith.constant 1.875000e-02 : f32
      %add3A_150 = vector.broadcast %add3A_149 : f32 to vector<16xf32>
      %add3A_151 = arith.addf %mul3A_148, %add3A_150 : vector<16xf32>
      %mul3A_152 = arith.mulf %exp3A_113, %div3A_123 : vector<16xf32>
      %add3A_153 = arith.constant 1.875000e-02 : f32
      %add3A_154 = vector.broadcast %add3A_153 : f32 to vector<16xf32>
      %add3A_155 = arith.addf %mul3A_152, %add3A_154 : vector<16xf32>
      %max3A_156 = arith.maximumf %add3A_127, %add3A_131 : vector<16xf32>
      %max3A_157 = arith.maximumf %max3A_156, %add3A_135 : vector<16xf32>
      %max3A_158 = arith.maximumf %max3A_157, %add3A_139 : vector<16xf32>
      %max3A_159 = arith.maximumf %max3A_158, %add3A_143 : vector<16xf32>
      %max3A_160 = arith.maximumf %max3A_159, %add3A_147 : vector<16xf32>
      %max3A_161 = arith.maximumf %max3A_160, %add3A_151 : vector<16xf32>
      %max3A_162 = arith.maximumf %max3A_161, %add3A_155 : vector<16xf32>
      %ge3A = arith.cmpf oge, %add3A_127, %max3A_162 : vector<16xf32>
      %jit3A_163 = arith.constant 0.000000e+00 : f32
      %broadcast_in_dim3A = vector.broadcast %jit3A_163 : f32 to vector<16xf32>
      %select_n3A_164 = arith.select %ge3A, %add3A_127, %broadcast_in_dim3A : vector<16xi1>, vector<16xf32>
      %ge3A_165 = arith.cmpf oge, %add3A_131, %max3A_162 : vector<16xf32>
      %jit3A_166 = arith.constant 0.000000e+00 : f32
      %broadcast_in_dim3A_167 = vector.broadcast %jit3A_166 : f32 to vector<16xf32>
      %select_n3A_168 = arith.select %ge3A_165, %add3A_131, %broadcast_in_dim3A_167 : vector<16xi1>, vector<16xf32>
      %ge3A_169 = arith.cmpf oge, %add3A_135, %max3A_162 : vector<16xf32>
      %jit3A_170 = arith.constant 0.000000e+00 : f32
      %broadcast_in_dim3A_171 = vector.broadcast %jit3A_170 : f32 to vector<16xf32>
      %select_n3A_172 = arith.select %ge3A_169, %add3A_135, %broadcast_in_dim3A_171 : vector<16xi1>, vector<16xf32>
      %ge3A_173 = arith.cmpf oge, %add3A_139, %max3A_162 : vector<16xf32>
      %jit3A_174 = arith.constant 0.000000e+00 : f32
      %broadcast_in_dim3A_175 = vector.broadcast %jit3A_174 : f32 to vector<16xf32>
      %select_n3A_176 = arith.select %ge3A_173, %add3A_139, %broadcast_in_dim3A_175 : vector<16xi1>, vector<16xf32>
      %ge3A_177 = arith.cmpf oge, %add3A_143, %max3A_162 : vector<16xf32>
      %jit3A_178 = arith.constant 0.000000e+00 : f32
      %broadcast_in_dim3A_179 = vector.broadcast %jit3A_178 : f32 to vector<16xf32>
      %select_n3A_180 = arith.select %ge3A_177, %add3A_143, %broadcast_in_dim3A_179 : vector<16xi1>, vector<16xf32>
      %ge3A_181 = arith.cmpf oge, %add3A_147, %max3A_162 : vector<16xf32>
      %jit3A_182 = arith.constant 0.000000e+00 : f32
      %broadcast_in_dim3A_183 = vector.broadcast %jit3A_182 : f32 to vector<16xf32>
      %select_n3A_184 = arith.select %ge3A_181, %add3A_147, %broadcast_in_dim3A_183 : vector<16xi1>, vector<16xf32>
      %ge3A_185 = arith.cmpf oge, %add3A_151, %max3A_162 : vector<16xf32>
      %jit3A_186 = arith.constant 0.000000e+00 : f32
      %broadcast_in_dim3A_187 = vector.broadcast %jit3A_186 : f32 to vector<16xf32>
      %select_n3A_188 = arith.select %ge3A_185, %add3A_151, %broadcast_in_dim3A_187 : vector<16xi1>, vector<16xf32>
      %ge3A_189 = arith.cmpf oge, %add3A_155, %max3A_162 : vector<16xf32>
      %jit3A_190 = arith.constant 0.000000e+00 : f32
      %broadcast_in_dim3A_191 = vector.broadcast %jit3A_190 : f32 to vector<16xf32>
      %select_n3A_192 = arith.select %ge3A_189, %add3A_155, %broadcast_in_dim3A_191 : vector<16xi1>, vector<16xf32>
      %add3A_193 = arith.addf %select_n3A_164, %select_n3A_168 : vector<16xf32>
      %add3A_194 = arith.addf %add3A_193, %select_n3A_172 : vector<16xf32>
      %add3A_195 = arith.addf %add3A_194, %select_n3A_176 : vector<16xf32>
      %add3A_196 = arith.addf %add3A_195, %select_n3A_180 : vector<16xf32>
      %add3A_197 = arith.addf %add3A_196, %select_n3A_184 : vector<16xf32>
      %add3A_198 = arith.addf %add3A_197, %select_n3A_188 : vector<16xf32>
      %add3A_199 = arith.addf %add3A_198, %select_n3A_192 : vector<16xf32>
      %max3A_200 = arith.constant 9.99999971E-10 : f32
      %max3A_201 = vector.broadcast %max3A_200 : f32 to vector<16xf32>
      %max3A_202 = arith.maximumf %add3A_199, %max3A_201 : vector<16xf32>
      %div3A_203 = arith.constant 1.000000e+00 : f32
      %div3A_204 = vector.broadcast %div3A_203 : f32 to vector<16xf32>
      %div3A_205 = arith.divf %div3A_204, %max3A_202 : vector<16xf32>
      %mul3A_206 = arith.mulf %select_n3A_164, %div3A_205 : vector<16xf32>
      %mul3A_207 = arith.mulf %select_n3A_168, %div3A_205 : vector<16xf32>
      %mul3A_208 = arith.mulf %select_n3A_172, %div3A_205 : vector<16xf32>
      %mul3A_209 = arith.mulf %select_n3A_176, %div3A_205 : vector<16xf32>
      %mul3A_210 = arith.mulf %select_n3A_180, %div3A_205 : vector<16xf32>
      %mul3A_211 = arith.mulf %select_n3A_184, %div3A_205 : vector<16xf32>
      %mul3A_212 = arith.mulf %select_n3A_188, %div3A_205 : vector<16xf32>
      %mul3A_213 = arith.mulf %select_n3A_192, %div3A_205 : vector<16xf32>
      %sub3A_214 = arith.subf %mul3A_206, %get3A_29 : vector<16xf32>
      %max3A_215 = arith.constant 0.000000e+00 : f32
      %max3A_216 = vector.broadcast %max3A_215 : f32 to vector<16xf32>
      %max3A_217 = arith.maximumf %sub3A_214, %max3A_216 : vector<16xf32>
      %sub3A_218 = arith.subf %mul3A_207, %get3A_29 : vector<16xf32>
      %max3A_219 = arith.constant 0.000000e+00 : f32
      %max3A_220 = vector.broadcast %max3A_219 : f32 to vector<16xf32>
      %max3A_221 = arith.maximumf %sub3A_218, %max3A_220 : vector<16xf32>
      %sub3A_222 = arith.subf %mul3A_208, %get3A_29 : vector<16xf32>
      %max3A_223 = arith.constant 0.000000e+00 : f32
      %max3A_224 = vector.broadcast %max3A_223 : f32 to vector<16xf32>
      %max3A_225 = arith.maximumf %sub3A_222, %max3A_224 : vector<16xf32>
      %sub3A_226 = arith.subf %mul3A_209, %get3A_29 : vector<16xf32>
      %max3A_227 = arith.constant 0.000000e+00 : f32
      %max3A_228 = vector.broadcast %max3A_227 : f32 to vector<16xf32>
      %max3A_229 = arith.maximumf %sub3A_226, %max3A_228 : vector<16xf32>
      %sub3A_230 = arith.subf %mul3A_210, %get3A_29 : vector<16xf32>
      %max3A_231 = arith.constant 0.000000e+00 : f32
      %max3A_232 = vector.broadcast %max3A_231 : f32 to vector<16xf32>
      %max3A_233 = arith.maximumf %sub3A_230, %max3A_232 : vector<16xf32>
      %sub3A_234 = arith.subf %mul3A_211, %get3A_29 : vector<16xf32>
      %max3A_235 = arith.constant 0.000000e+00 : f32
      %max3A_236 = vector.broadcast %max3A_235 : f32 to vector<16xf32>
      %max3A_237 = arith.maximumf %sub3A_234, %max3A_236 : vector<16xf32>
      %sub3A_238 = arith.subf %mul3A_212, %get3A_29 : vector<16xf32>
      %max3A_239 = arith.constant 0.000000e+00 : f32
      %max3A_240 = vector.broadcast %max3A_239 : f32 to vector<16xf32>
      %max3A_241 = arith.maximumf %sub3A_238, %max3A_240 : vector<16xf32>
      %sub3A_242 = arith.subf %mul3A_213, %get3A_29 : vector<16xf32>
      %max3A_243 = arith.constant 0.000000e+00 : f32
      %max3A_244 = vector.broadcast %max3A_243 : f32 to vector<16xf32>
      %max3A_245 = arith.maximumf %sub3A_242, %max3A_244 : vector<16xf32>
      %add3A_246 = arith.addf %max3A_217, %max3A_221 : vector<16xf32>
      %add3A_247 = arith.addf %add3A_246, %max3A_225 : vector<16xf32>
      %add3A_248 = arith.addf %add3A_247, %max3A_229 : vector<16xf32>
      %add3A_249 = arith.addf %add3A_248, %max3A_233 : vector<16xf32>
      %add3A_250 = arith.addf %add3A_249, %max3A_237 : vector<16xf32>
      %add3A_251 = arith.addf %add3A_250, %max3A_241 : vector<16xf32>
      %add3A_252 = arith.addf %add3A_251, %max3A_245 : vector<16xf32>
      %sub3A_253 = arith.subf %mul3A_206, %max3A_217 : vector<16xf32>
      %sub3A_254 = arith.subf %mul3A_207, %max3A_221 : vector<16xf32>
      %sub3A_255 = arith.subf %mul3A_208, %max3A_225 : vector<16xf32>
      %sub3A_256 = arith.subf %mul3A_209, %max3A_229 : vector<16xf32>
      %sub3A_257 = arith.subf %mul3A_210, %max3A_233 : vector<16xf32>
      %sub3A_258 = arith.subf %mul3A_211, %max3A_237 : vector<16xf32>
      %sub3A_259 = arith.subf %mul3A_212, %max3A_241 : vector<16xf32>
      %sub3A_260 = arith.subf %mul3A_213, %max3A_245 : vector<16xf32>
      %sub3A_261 = arith.subf %get3A_29, %sub3A_253 : vector<16xf32>
      %max3A_262 = arith.constant 0.000000e+00 : f32
      %max3A_263 = vector.broadcast %max3A_262 : f32 to vector<16xf32>
      %max3A_264 = arith.maximumf %sub3A_261, %max3A_263 : vector<16xf32>
      %sub3A_265 = arith.subf %get3A_29, %sub3A_254 : vector<16xf32>
      %max3A_266 = arith.constant 0.000000e+00 : f32
      %max3A_267 = vector.broadcast %max3A_266 : f32 to vector<16xf32>
      %max3A_268 = arith.maximumf %sub3A_265, %max3A_267 : vector<16xf32>
      %sub3A_269 = arith.subf %get3A_29, %sub3A_255 : vector<16xf32>
      %max3A_270 = arith.constant 0.000000e+00 : f32
      %max3A_271 = vector.broadcast %max3A_270 : f32 to vector<16xf32>
      %max3A_272 = arith.maximumf %sub3A_269, %max3A_271 : vector<16xf32>
      %sub3A_273 = arith.subf %get3A_29, %sub3A_256 : vector<16xf32>
      %max3A_274 = arith.constant 0.000000e+00 : f32
      %max3A_275 = vector.broadcast %max3A_274 : f32 to vector<16xf32>
      %max3A_276 = arith.maximumf %sub3A_273, %max3A_275 : vector<16xf32>
      %sub3A_277 = arith.subf %get3A_29, %sub3A_257 : vector<16xf32>
      %max3A_278 = arith.constant 0.000000e+00 : f32
      %max3A_279 = vector.broadcast %max3A_278 : f32 to vector<16xf32>
      %max3A_280 = arith.maximumf %sub3A_277, %max3A_279 : vector<16xf32>
      %sub3A_281 = arith.subf %get3A_29, %sub3A_258 : vector<16xf32>
      %max3A_282 = arith.constant 0.000000e+00 : f32
      %max3A_283 = vector.broadcast %max3A_282 : f32 to vector<16xf32>
      %max3A_284 = arith.maximumf %sub3A_281, %max3A_283 : vector<16xf32>
      %sub3A_285 = arith.subf %get3A_29, %sub3A_259 : vector<16xf32>
      %max3A_286 = arith.constant 0.000000e+00 : f32
      %max3A_287 = vector.broadcast %max3A_286 : f32 to vector<16xf32>
      %max3A_288 = arith.maximumf %sub3A_285, %max3A_287 : vector<16xf32>
      %sub3A_289 = arith.subf %get3A_29, %sub3A_260 : vector<16xf32>
      %max3A_290 = arith.constant 0.000000e+00 : f32
      %max3A_291 = vector.broadcast %max3A_290 : f32 to vector<16xf32>
      %max3A_292 = arith.maximumf %sub3A_289, %max3A_291 : vector<16xf32>
      %add3A_293 = arith.addf %max3A_264, %max3A_268 : vector<16xf32>
      %add3A_294 = arith.addf %add3A_293, %max3A_272 : vector<16xf32>
      %add3A_295 = arith.addf %add3A_294, %max3A_276 : vector<16xf32>
      %add3A_296 = arith.addf %add3A_295, %max3A_280 : vector<16xf32>
      %add3A_297 = arith.addf %add3A_296, %max3A_284 : vector<16xf32>
      %add3A_298 = arith.addf %add3A_297, %max3A_288 : vector<16xf32>
      %add3A_299 = arith.addf %add3A_298, %max3A_292 : vector<16xf32>
      %max3A_300 = arith.constant 9.99999993E-9 : f32
      %max3A_301 = vector.broadcast %max3A_300 : f32 to vector<16xf32>
      %max3A_302 = arith.maximumf %add3A_299, %max3A_301 : vector<16xf32>
      %div3A_303 = arith.divf %add3A_252, %max3A_302 : vector<16xf32>
      %mul3A_304 = arith.mulf %div3A_303, %max3A_264 : vector<16xf32>
      %add3A_305 = arith.addf %sub3A_253, %mul3A_304 : vector<16xf32>
      %mul3A_306 = arith.mulf %add3A_305, %get3A_34 : vector<16xf32>
      %swap3A = arith.constant 0 : i32
      %swap3A_307 = arith.index_cast %swap3A : i32 to index
      %swap3A_308 = arith.index_cast %mul3A_44 : i32 to index
      %swap3A_309 = tpu.vector_load %arg6[%swap3A_307, %swap3A_308] {strides = array<i32>} : memref<8x512xf32, #tpu.memory_space<vmem>>, vector<1x16xf32>,
      %swap3A_310 = vector.shape_cast %swap3A_309 : vector<1x16xf32> to vector<16xf32>
      %swap3A_311 = vector.shape_cast %mul3A_306 : vector<16xf32> to vector<1x16xf32>
      tpu.vector_store %arg6[%swap3A_307, %swap3A_308], %swap3A_311 {strides = array<i32>} : memref<8x512xf32, #tpu.memory_space<vmem>>, vector<1x16xf32>,
      %mul3A_312 = arith.mulf %div3A_303, %max3A_268 : vector<16xf32>
      %add3A_313 = arith.addf %sub3A_254, %mul3A_312 : vector<16xf32>
      %mul3A_314 = arith.mulf %add3A_313, %get3A_34 : vector<16xf32>
      %swap3A_315 = arith.constant 1 : i32
      %swap3A_316 = arith.index_cast %swap3A_315 : i32 to index
      %swap3A_317 = arith.index_cast %mul3A_44 : i32 to index
      %swap3A_318 = tpu.vector_load %arg6[%swap3A_316, %swap3A_317] {strides = array<i32>} : memref<8x512xf32, #tpu.memory_space<vmem>>, vector<1x16xf32>,
      %swap3A_319 = vector.shape_cast %swap3A_318 : vector<1x16xf32> to vector<16xf32>
      %swap3A_320 = vector.shape_cast %mul3A_314 : vector<16xf32> to vector<1x16xf32>
      tpu.vector_store %arg6[%swap3A_316, %swap3A_317], %swap3A_320 {strides = array<i32>} : memref<8x512xf32, #tpu.memory_space<vmem>>, vector<1x16xf32>,
      %mul3A_321 = arith.mulf %div3A_303, %max3A_272 : vector<16xf32>
      %add3A_322 = arith.addf %sub3A_255, %mul3A_321 : vector<16xf32>
      %mul3A_323 = arith.mulf %add3A_322, %get3A_34 : vector<16xf32>
      %swap3A_324 = arith.constant 2 : i32
      %swap3A_325 = arith.index_cast %swap3A_324 : i32 to index
      %swap3A_326 = arith.index_cast %mul3A_44 : i32 to index
      %swap3A_327 = tpu.vector_load %arg6[%swap3A_325, %swap3A_326] {strides = array<i32>} : memref<8x512xf32, #tpu.memory_space<vmem>>, vector<1x16xf32>,
      %swap3A_328 = vector.shape_cast %swap3A_327 : vector<1x16xf32> to vector<16xf32>
      %swap3A_329 = vector.shape_cast %mul3A_323 : vector<16xf32> to vector<1x16xf32>
      tpu.vector_store %arg6[%swap3A_325, %swap3A_326], %swap3A_329 {strides = array<i32>} : memref<8x512xf32, #tpu.memory_space<vmem>>, vector<1x16xf32>,
      %mul3A_330 = arith.mulf %div3A_303, %max3A_276 : vector<16xf32>
      %add3A_331 = arith.addf %sub3A_256, %mul3A_330 : vector<16xf32>
      %mul3A_332 = arith.mulf %add3A_331, %get3A_34 : vector<16xf32>
      %swap3A_333 = arith.constant 3 : i32
      %swap3A_334 = arith.index_cast %swap3A_333 : i32 to index
      %swap3A_335 = arith.index_cast %mul3A_44 : i32 to index
      %swap3A_336 = tpu.vector_load %arg6[%swap3A_334, %swap3A_335] {strides = array<i32>} : memref<8x512xf32, #tpu.memory_space<vmem>>, vector<1x16xf32>,
      %swap3A_337 = vector.shape_cast %swap3A_336 : vector<1x16xf32> to vector<16xf32>
      %swap3A_338 = vector.shape_cast %mul3A_332 : vector<16xf32> to vector<1x16xf32>
      tpu.vector_store %arg6[%swap3A_334, %swap3A_335], %swap3A_338 {strides = array<i32>} : memref<8x512xf32, #tpu.memory_space<vmem>>, vector<1x16xf32>,
      %mul3A_339 = arith.mulf %div3A_303, %max3A_280 : vector<16xf32>
      %add3A_340 = arith.addf %sub3A_257, %mul3A_339 : vector<16xf32>
      %mul3A_341 = arith.mulf %add3A_340, %get3A_34 : vector<16xf32>
      %swap3A_342 = arith.constant 4 : i32
      %swap3A_343 = arith.index_cast %swap3A_342 : i32 to index
      %swap3A_344 = arith.index_cast %mul3A_44 : i32 to index
      %swap3A_345 = tpu.vector_load %arg6[%swap3A_343, %swap3A_344] {strides = array<i32>} : memref<8x512xf32, #tpu.memory_space<vmem>>, vector<1x16xf32>,
      %swap3A_346 = vector.shape_cast %swap3A_345 : vector<1x16xf32> to vector<16xf32>
      %swap3A_347 = vector.shape_cast %mul3A_341 : vector<16xf32> to vector<1x16xf32>
      tpu.vector_store %arg6[%swap3A_343, %swap3A_344], %swap3A_347 {strides = array<i32>} : memref<8x512xf32, #tpu.memory_space<vmem>>, vector<1x16xf32>,
      %mul3A_348 = arith.mulf %div3A_303, %max3A_284 : vector<16xf32>
      %add3A_349 = arith.addf %sub3A_258, %mul3A_348 : vector<16xf32>
      %mul3A_350 = arith.mulf %add3A_349, %get3A_34 : vector<16xf32>
      %swap3A_351 = arith.constant 5 : i32
      %swap3A_352 = arith.index_cast %swap3A_351 : i32 to index
      %swap3A_353 = arith.index_cast %mul3A_44 : i32 to index
      %swap3A_354 = tpu.vector_load %arg6[%swap3A_352, %swap3A_353] {strides = array<i32>} : memref<8x512xf32, #tpu.memory_space<vmem>>, vector<1x16xf32>,
      %swap3A_355 = vector.shape_cast %swap3A_354 : vector<1x16xf32> to vector<16xf32>
      %swap3A_356 = vector.shape_cast %mul3A_350 : vector<16xf32> to vector<1x16xf32>
      tpu.vector_store %arg6[%swap3A_352, %swap3A_353], %swap3A_356 {strides = array<i32>} : memref<8x512xf32, #tpu.memory_space<vmem>>, vector<1x16xf32>,
      %mul3A_357 = arith.mulf %div3A_303, %max3A_288 : vector<16xf32>
      %add3A_358 = arith.addf %sub3A_259, %mul3A_357 : vector<16xf32>
      %mul3A_359 = arith.mulf %add3A_358, %get3A_34 : vector<16xf32>
      %swap3A_360 = arith.constant 6 : i32
      %swap3A_361 = arith.index_cast %swap3A_360 : i32 to index
      %swap3A_362 = arith.index_cast %mul3A_44 : i32 to index
      %swap3A_363 = tpu.vector_load %arg6[%swap3A_361, %swap3A_362] {strides = array<i32>} : memref<8x512xf32, #tpu.memory_space<vmem>>, vector<1x16xf32>,
      %swap3A_364 = vector.shape_cast %swap3A_363 : vector<1x16xf32> to vector<16xf32>
      %swap3A_365 = vector.shape_cast %mul3A_359 : vector<16xf32> to vector<1x16xf32>
      tpu.vector_store %arg6[%swap3A_361, %swap3A_362], %swap3A_365 {strides = array<i32>} : memref<8x512xf32, #tpu.memory_space<vmem>>, vector<1x16xf32>,
      %mul3A_366 = arith.mulf %div3A_303, %max3A_292 : vector<16xf32>
      %add3A_367 = arith.addf %sub3A_260, %mul3A_366 : vector<16xf32>
      %mul3A_368 = arith.mulf %add3A_367, %get3A_34 : vector<16xf32>
      %swap3A_369 = arith.constant 7 : i32
      %swap3A_370 = arith.index_cast %swap3A_369 : i32 to index
      %swap3A_371 = arith.index_cast %mul3A_44 : i32 to index
      %swap3A_372 = tpu.vector_load %arg6[%swap3A_370, %swap3A_371] {strides = array<i32>} : memref<8x512xf32, #tpu.memory_space<vmem>>, vector<1x16xf32>,
      %swap3A_373 = vector.shape_cast %swap3A_372 : vector<1x16xf32> to vector<16xf32>
      %swap3A_374 = vector.shape_cast %mul3A_368 : vector<16xf32> to vector<1x16xf32>
      tpu.vector_store %arg6[%swap3A_370, %swap3A_371], %swap3A_374 {strides = array<i32>} : memref<8x512xf32, #tpu.memory_space<vmem>>, vector<1x16xf32>,
    }
    %scan3A_39 = arith.constant 32 : i32
    %mul3A_40 = arith.constant 512 : i32
    %mul3A_41 = arith.muli %rem3A_18, %mul3A_40 : i32
    "tpu.region"() ({
      %run_scoped3A = tpu.sem_alloc : memref<!tpu.dma_semaphore, #tpu.memory_space<semaphore_mem>>
      %dma_start3A = arith.constant 0 : i32
      %dma_start3A_42 = tpu.memref_slice %arg4[%select_n3A, %dma_start3A, %mul3A_41] : memref<4x8x4096xf32, #tpu.memory_space<hbm>> -> memref<1x8x512xf32, #tpu.memory_space<hbm>>
      %dma_start3A_43 = tpu.memref_squeeze %dma_start3A_42 : memref<1x8x512xf32, #tpu.memory_space<hbm>> -> memref<8x512xf32, #tpu.memory_space<hbm>>
      %dma_start3A_44 = arith.constant 0 : i32
      %dma_start3A_45 = tpu.memref_slice %arg4[%select_n3A, %dma_start3A_44, %mul3A_41] : memref<4x8x4096xf32, #tpu.memory_space<hbm>> -> memref<1x8x512xf32, #tpu.memory_space<hbm>>
      %dma_start3A_46 = tpu.memref_squeeze %dma_start3A_45 : memref<1x8x512xf32, #tpu.memory_space<hbm>> -> memref<8x512xf32, #tpu.memory_space<hbm>>
      tpu.enqueue_dma source(%arg6 : memref<8x512xf32, #tpu.memory_space<vmem>>) target(%dma_start3A_46 : memref<8x512xf32, #tpu.memory_space<hbm>>) target_semaphore(%run_scoped3A : memref<!tpu.dma_semaphore, #tpu.memory_space<semaphore_mem>>)
      %dma_wait3A = arith.constant 0 : i32
      %dma_wait3A_47 = tpu.memref_slice %arg4[%select_n3A, %dma_wait3A, %mul3A_41] : memref<4x8x4096xf32, #tpu.memory_space<hbm>> -> memref<1x8x512xf32, #tpu.memory_space<hbm>>
      %dma_wait3A_48 = tpu.memref_squeeze %dma_wait3A_47 : memref<1x8x512xf32, #tpu.memory_space<hbm>> -> memref<8x512xf32, #tpu.memory_space<hbm>>
      %dma_wait3A_49 = arith.constant 0 : i32
      %dma_wait3A_50 = tpu.memref_slice %arg4[%select_n3A, %dma_wait3A_49, %mul3A_41] : memref<4x8x4096xf32, #tpu.memory_space<hbm>> -> memref<1x8x512xf32, #tpu.memory_space<hbm>>
      %dma_wait3A_51 = tpu.memref_squeeze %dma_wait3A_50 : memref<1x8x512xf32, #tpu.memory_space<hbm>> -> memref<8x512xf32, #tpu.memory_space<hbm>>
      tpu.wait_dma2 semaphore(%run_scoped3A : memref<!tpu.dma_semaphore, #tpu.memory_space<semaphore_mem>>) src(%arg6 : memref<8x512xf32, #tpu.memory_space<vmem>>) dst(%dma_wait3A_51 : memref<8x512xf32, #tpu.memory_space<hbm>>)
      tpu.yield
    }) : () -> ()
    return
  }
}

module attributes {stable_mosaic.version = 14 : i64} {
  func.func @_tc_logits_body(%arg0: i32, %arg1: memref<4096x1024xf32, #tpu.memory_space<vmem>>, %arg2: memref<1024x8xf32, #tpu.memory_space<vmem>>, %arg3: memref<8x4096xf32, #tpu.memory_space<vmem>>) attributes {dimension_semantics = [#tpu.dimension_semantics<arbitrary>], iteration_bounds = array<i64: 4>, scalar_prefetch = 0 : i64, scratch_operands = 0 : i64, tpu.core_type = #tpu.core_type<tc>, window_params = [{transform_indices = @transform_0, window_bounds = array<i64: 4096, 1024>}, {pipeline_mode = #tpu.pipeline_mode<synchronous>, transform_indices = @transform_1, window_bounds = array<i64: 1024, 8>}, {transform_indices = @transform_2, window_bounds = array<i64: 8, 4096>}]} {
    %get3A = arith.constant 0 : index
    %get3A_0 = arith.constant 0 : index
    %get3A_1 = vector.load %arg2[%get3A, %get3A_0] : memref<1024x8xf32, #tpu.memory_space<vmem>>, vector<1024x8xf32>
    %get3A_2 = arith.constant 0 : index
    %get3A_3 = arith.constant 0 : index
    %get3A_4 = vector.load %arg1[%get3A_2, %get3A_3] : memref<4096x1024xf32, #tpu.memory_space<vmem>>, vector<4096x1024xf32>
    %dot_general3A = arith.constant dense<0.000000e+00> : vector<8x4096xf32>
    %dot_general3A_5 = tpu.matmul %get3A_1, %get3A_4, %dot_general3A {dimension_numbers = #tpu.dot_dimension_numbers<[0], [1], [1], [0], [0, 1, 1, 0], [], []>, transpose_lhs_hint = false} : vector<1024x8xf32>, vector<4096x1024xf32>, vector<8x4096xf32> -> vector<8x4096xf32>
    %swap3A = arith.constant 0 : index
    %swap3A_6 = arith.constant 0 : index
    %swap3A_7 = vector.load %arg3[%swap3A, %swap3A_6] : memref<8x4096xf32, #tpu.memory_space<vmem>>, vector<8x4096xf32>
    tpu.vector_store %arg3[%swap3A, %swap3A_6], %dot_general3A_5 {strides = array<i32>} : memref<8x4096xf32, #tpu.memory_space<vmem>>, vector<8x4096xf32>,
    return
  }
  func.func @transform_0(%arg0: i32) -> (i32, i32) {
    %c0_i32 = arith.constant 0 : i32
    %c0_i32_0 = arith.constant 0 : i32
    return %arg0, %c0_i32 : i32, i32
  }
  func.func @transform_1(%arg0: i32) -> (i32, i32) {
    %c0_i32 = arith.constant 0 : i32
    %c0_i32_0 = arith.constant 0 : i32
    %c0_i32_1 = arith.constant 0 : i32
    return %c0_i32, %c0_i32_0 : i32, i32
  }
  func.func @transform_2(%arg0: i32) -> (i32, i32) {
    %c0_i32 = arith.constant 0 : i32
    %c0_i32_0 = arith.constant 0 : i32
    return %c0_i32, %arg0 : i32, i32
  }
}

module attributes {stable_mosaic.version = 14 : i64} {
  func.func @_tc_route2_body(%arg0: i32, %arg1: memref<2048x1024xf32, #tpu.memory_space<vmem>>, %arg2: memref<1024x8xf32, #tpu.memory_space<vmem>>, %arg3: memref<3x4xf32, #tpu.memory_space<smem>>, %arg4: memref<8x2048xf32, #tpu.memory_space<vmem>>) attributes {dimension_semantics = [#tpu.dimension_semantics<arbitrary>], iteration_bounds = array<i64: 4>, scalar_prefetch = 0 : i64, scratch_operands = 0 : i64, tpu.core_type = #tpu.core_type<tc>, window_params = [{transform_indices = @transform_0, window_bounds = array<i64: 2048, 1024>}, {pipeline_mode = #tpu.pipeline_mode<synchronous>, transform_indices = @transform_1, window_bounds = array<i64: 1024, 8>}, {transform_indices = @transform_2, window_bounds = array<i64: 3, 4>}, {transform_indices = @transform_3, window_bounds = array<i64: 8, 2048>}]} {
    %get3A = arith.constant 0 : index
    %get3A_0 = arith.index_cast %arg0 : i32 to index
    %get3A_1 = memref.load %arg3[%get3A, %get3A_0] : memref<3x4xf32, #tpu.memory_space<smem>>
    %get3A_2 = arith.constant 1 : index
    %get3A_3 = arith.index_cast %arg0 : i32 to index
    %get3A_4 = memref.load %arg3[%get3A_2, %get3A_3] : memref<3x4xf32, #tpu.memory_space<smem>>
    %get3A_5 = arith.constant 2 : index
    %get3A_6 = arith.index_cast %arg0 : i32 to index
    %get3A_7 = memref.load %arg3[%get3A_5, %get3A_6] : memref<3x4xf32, #tpu.memory_space<smem>>
    %get3A_8 = arith.constant 0 : index
    %get3A_9 = arith.constant 0 : index
    %get3A_10 = vector.load %arg2[%get3A_8, %get3A_9] : memref<1024x8xf32, #tpu.memory_space<vmem>>, vector<1024x8xf32>
    %get3A_11 = arith.constant 0 : index
    %get3A_12 = arith.constant 0 : index
    %get3A_13 = vector.load %arg1[%get3A_11, %get3A_12] : memref<2048x1024xf32, #tpu.memory_space<vmem>>, vector<2048x1024xf32>
    %dot_general3A = arith.constant dense<0.000000e+00> : vector<8x2048xf32>
    %dot_general3A_14 = tpu.matmul %get3A_10, %get3A_13, %dot_general3A {dimension_numbers = #tpu.dot_dimension_numbers<[0], [1], [1], [0], [0, 1, 1, 0], [], []>, transpose_lhs_hint = false} : vector<1024x8xf32>, vector<2048x1024xf32>, vector<8x2048xf32> -> vector<8x2048xf32>
    %reduce_max3A = arith.constant dense<0xFF800000> : vector<2048xf32>
    %reduce_max3A_15 = vector.multi_reduction <maximumf>, %dot_general3A_14, %reduce_max3A [0] : vector<8x2048xf32> to vector<2048xf32>
    %broadcast_in_dim3A = vector.shape_cast %reduce_max3A_15 : vector<2048xf32> to vector<1x2048xf32>
    %sub3A = vector.broadcast %broadcast_in_dim3A : vector<1x2048xf32> to vector<8x2048xf32>
    %sub3A_16 = arith.subf %dot_general3A_14, %sub3A : vector<8x2048xf32>
    %mul3A = vector.broadcast %get3A_1 : f32 to vector<8x2048xf32>
    %mul3A_17 = arith.mulf %sub3A_16, %mul3A : vector<8x2048xf32>
    %exp3A = math.exp %mul3A_17 : vector<8x2048xf32>
    %reduce_sum3A = arith.constant dense<0.000000e+00> : vector<2048xf32>
    %reduce_sum3A_18 = vector.multi_reduction <add>, %exp3A, %reduce_sum3A [0] : vector<8x2048xf32> to vector<2048xf32>
    %broadcast_in_dim3A_19 = vector.shape_cast %reduce_sum3A_18 : vector<2048xf32> to vector<1x2048xf32>
    %div3A = arith.constant 8.500000e-01 : f32
    %div3A_20 = vector.broadcast %div3A : f32 to vector<1x2048xf32>
    %div3A_21 = arith.divf %div3A_20, %broadcast_in_dim3A_19 : vector<1x2048xf32>
    %mul3A_22 = vector.broadcast %div3A_21 : vector<1x2048xf32> to vector<8x2048xf32>
    %mul3A_23 = arith.mulf %exp3A, %mul3A_22 : vector<8x2048xf32>
    %add3A = arith.constant 1.875000e-02 : f32
    %add3A_24 = vector.broadcast %add3A : f32 to vector<8x2048xf32>
    %add3A_25 = arith.addf %mul3A_23, %add3A_24 : vector<8x2048xf32>
    %slice3A = vector.extract_strided_slice %add3A_25 {offsets = [0, 0], sizes = [1, 2048], strides = [1, 1]} : vector<8x2048xf32> to vector<1x2048xf32>
    %broadcast_in_dim3A_26 = arith.constant 0.000000e+00 : f32
    %broadcast_in_dim3A_27 = vector.broadcast %broadcast_in_dim3A_26 : f32 to vector<1x2048xf32>
    %slice3A_28 = vector.extract_strided_slice %add3A_25 {offsets = [1, 0], sizes = [1, 2048], strides = [1, 1]} : vector<8x2048xf32> to vector<1x2048xf32>
    %gt3A = arith.cmpf ogt, %slice3A_28, %slice3A : vector<1x2048xf32>
    %max3A = arith.maximumf %broadcast_in_dim3A_27, %slice3A_28 : vector<1x2048xf32>
    %select_n3A = arith.select %gt3A, %slice3A, %max3A : vector<1x2048xi1>, vector<1x2048xf32>
    %select_n3A_29 = arith.select %gt3A, %slice3A_28, %slice3A : vector<1x2048xi1>, vector<1x2048xf32>
    %slice3A_30 = vector.extract_strided_slice %add3A_25 {offsets = [2, 0], sizes = [1, 2048], strides = [1, 1]} : vector<8x2048xf32> to vector<1x2048xf32>
    %gt3A_31 = arith.cmpf ogt, %slice3A_30, %select_n3A_29 : vector<1x2048xf32>
    %max3A_32 = arith.maximumf %select_n3A, %slice3A_30 : vector<1x2048xf32>
    %select_n3A_33 = arith.select %gt3A_31, %select_n3A_29, %max3A_32 : vector<1x2048xi1>, vector<1x2048xf32>
    %select_n3A_34 = arith.select %gt3A_31, %slice3A_30, %select_n3A_29 : vector<1x2048xi1>, vector<1x2048xf32>
    %slice3A_35 = vector.extract_strided_slice %add3A_25 {offsets = [3, 0], sizes = [1, 2048], strides = [1, 1]} : vector<8x2048xf32> to vector<1x2048xf32>
    %gt3A_36 = arith.cmpf ogt, %slice3A_35, %select_n3A_34 : vector<1x2048xf32>
    %max3A_37 = arith.maximumf %select_n3A_33, %slice3A_35 : vector<1x2048xf32>
    %select_n3A_38 = arith.select %gt3A_36, %select_n3A_34, %max3A_37 : vector<1x2048xi1>, vector<1x2048xf32>
    %select_n3A_39 = arith.select %gt3A_36, %slice3A_35, %select_n3A_34 : vector<1x2048xi1>, vector<1x2048xf32>
    %slice3A_40 = vector.extract_strided_slice %add3A_25 {offsets = [4, 0], sizes = [1, 2048], strides = [1, 1]} : vector<8x2048xf32> to vector<1x2048xf32>
    %gt3A_41 = arith.cmpf ogt, %slice3A_40, %select_n3A_39 : vector<1x2048xf32>
    %max3A_42 = arith.maximumf %select_n3A_38, %slice3A_40 : vector<1x2048xf32>
    %select_n3A_43 = arith.select %gt3A_41, %select_n3A_39, %max3A_42 : vector<1x2048xi1>, vector<1x2048xf32>
    %select_n3A_44 = arith.select %gt3A_41, %slice3A_40, %select_n3A_39 : vector<1x2048xi1>, vector<1x2048xf32>
    %slice3A_45 = vector.extract_strided_slice %add3A_25 {offsets = [5, 0], sizes = [1, 2048], strides = [1, 1]} : vector<8x2048xf32> to vector<1x2048xf32>
    %gt3A_46 = arith.cmpf ogt, %slice3A_45, %select_n3A_44 : vector<1x2048xf32>
    %max3A_47 = arith.maximumf %select_n3A_43, %slice3A_45 : vector<1x2048xf32>
    %select_n3A_48 = arith.select %gt3A_46, %select_n3A_44, %max3A_47 : vector<1x2048xi1>, vector<1x2048xf32>
    %select_n3A_49 = arith.select %gt3A_46, %slice3A_45, %select_n3A_44 : vector<1x2048xi1>, vector<1x2048xf32>
    %slice3A_50 = vector.extract_strided_slice %add3A_25 {offsets = [6, 0], sizes = [1, 2048], strides = [1, 1]} : vector<8x2048xf32> to vector<1x2048xf32>
    %gt3A_51 = arith.cmpf ogt, %slice3A_50, %select_n3A_49 : vector<1x2048xf32>
    %max3A_52 = arith.maximumf %select_n3A_48, %slice3A_50 : vector<1x2048xf32>
    %select_n3A_53 = arith.select %gt3A_51, %select_n3A_49, %max3A_52 : vector<1x2048xi1>, vector<1x2048xf32>
    %select_n3A_54 = arith.select %gt3A_51, %slice3A_50, %select_n3A_49 : vector<1x2048xi1>, vector<1x2048xf32>
    %slice3A_55 = vector.extract_strided_slice %add3A_25 {offsets = [7, 0], sizes = [1, 2048], strides = [1, 1]} : vector<8x2048xf32> to vector<1x2048xf32>
    %gt3A_56 = arith.cmpf ogt, %slice3A_55, %select_n3A_54 : vector<1x2048xf32>
    %max3A_57 = arith.maximumf %select_n3A_53, %slice3A_55 : vector<1x2048xf32>
    %select_n3A_58 = arith.select %gt3A_56, %select_n3A_54, %max3A_57 : vector<1x2048xi1>, vector<1x2048xf32>
    %ge3A = vector.broadcast %select_n3A_58 : vector<1x2048xf32> to vector<8x2048xf32>
    %ge3A_59 = arith.cmpf oge, %add3A_25, %ge3A : vector<8x2048xf32>
    %jit3A = arith.constant 0.000000e+00 : f32
    %broadcast_in_dim3A_60 = vector.broadcast %jit3A : f32 to vector<8x2048xf32>
    %select_n3A_61 = arith.select %ge3A_59, %add3A_25, %broadcast_in_dim3A_60 : vector<8x2048xi1>, vector<8x2048xf32>
    %reduce_sum3A_62 = arith.constant dense<0.000000e+00> : vector<2048xf32>
    %reduce_sum3A_63 = vector.multi_reduction <add>, %select_n3A_61, %reduce_sum3A_62 [0] : vector<8x2048xf32> to vector<2048xf32>
    %broadcast_in_dim3A_64 = vector.shape_cast %reduce_sum3A_63 : vector<2048xf32> to vector<1x2048xf32>
    %max3A_65 = arith.constant 9.99999971E-10 : f32
    %max3A_66 = vector.broadcast %max3A_65 : f32 to vector<1x2048xf32>
    %max3A_67 = arith.maximumf %broadcast_in_dim3A_64, %max3A_66 : vector<1x2048xf32>
    %div3A_68 = vector.broadcast %max3A_67 : vector<1x2048xf32> to vector<8x2048xf32>
    %div3A_69 = arith.divf %select_n3A_61, %div3A_68 : vector<8x2048xf32>
    %sub3A_70 = vector.broadcast %get3A_4 : f32 to vector<8x2048xf32>
    %sub3A_71 = arith.subf %div3A_69, %sub3A_70 : vector<8x2048xf32>
    %max3A_72 = arith.constant 0.000000e+00 : f32
    %max3A_73 = vector.broadcast %max3A_72 : f32 to vector<8x2048xf32>
    %max3A_74 = arith.maximumf %sub3A_71, %max3A_73 : vector<8x2048xf32>
    %sub3A_75 = arith.subf %div3A_69, %max3A_74 : vector<8x2048xf32>
    %sub3A_76 = vector.broadcast %get3A_4 : f32 to vector<8x2048xf32>
    %sub3A_77 = arith.subf %sub3A_76, %sub3A_75 : vector<8x2048xf32>
    %max3A_78 = arith.constant 0.000000e+00 : f32
    %max3A_79 = vector.broadcast %max3A_78 : f32 to vector<8x2048xf32>
    %max3A_80 = arith.maximumf %sub3A_77, %max3A_79 : vector<8x2048xf32>
    %reduce_sum3A_81 = arith.constant dense<0.000000e+00> : vector<2048xf32>
    %reduce_sum3A_82 = vector.multi_reduction <add>, %max3A_80, %reduce_sum3A_81 [0] : vector<8x2048xf32> to vector<2048xf32>
    %broadcast_in_dim3A_83 = vector.shape_cast %reduce_sum3A_82 : vector<2048xf32> to vector<1x2048xf32>
    %max3A_84 = arith.constant 9.99999993E-9 : f32
    %max3A_85 = vector.broadcast %max3A_84 : f32 to vector<1x2048xf32>
    %max3A_86 = arith.maximumf %broadcast_in_dim3A_83, %max3A_85 : vector<1x2048xf32>
    %reduce_sum3A_87 = arith.constant dense<0.000000e+00> : vector<2048xf32>
    %reduce_sum3A_88 = vector.multi_reduction <add>, %max3A_74, %reduce_sum3A_87 [0] : vector<8x2048xf32> to vector<2048xf32>
    %broadcast_in_dim3A_89 = vector.shape_cast %reduce_sum3A_88 : vector<2048xf32> to vector<1x2048xf32>
    %div3A_90 = arith.divf %broadcast_in_dim3A_89, %max3A_86 : vector<1x2048xf32>
    %mul3A_91 = vector.broadcast %div3A_90 : vector<1x2048xf32> to vector<8x2048xf32>
    %mul3A_92 = arith.mulf %mul3A_91, %max3A_80 : vector<8x2048xf32>
    %add3A_93 = arith.addf %sub3A_75, %mul3A_92 : vector<8x2048xf32>
    %mul3A_94 = vector.broadcast %get3A_7 : f32 to vector<8x2048xf32>
    %mul3A_95 = arith.mulf %add3A_93, %mul3A_94 : vector<8x2048xf32>
    %swap3A = arith.constant 0 : index
    %swap3A_96 = arith.constant 0 : index
    %swap3A_97 = vector.load %arg4[%swap3A, %swap3A_96] : memref<8x2048xf32, #tpu.memory_space<vmem>>, vector<8x2048xf32>
    tpu.vector_store %arg4[%swap3A, %swap3A_96], %mul3A_95 {strides = array<i32>} : memref<8x2048xf32, #tpu.memory_space<vmem>>, vector<8x2048xf32>,
    return
  }
  func.func @transform_0(%arg0: i32) -> (i32, i32) {
    %c0_i32 = arith.constant 0 : i32
    %c0_i32_0 = arith.constant 0 : i32
    return %arg0, %c0_i32 : i32, i32
  }
  func.func @transform_1(%arg0: i32) -> (i32, i32) {
    %c0_i32 = arith.constant 0 : i32
    %c0_i32_0 = arith.constant 0 : i32
    %c0_i32_1 = arith.constant 0 : i32
    return %c0_i32, %c0_i32_0 : i32, i32
  }
  func.func @transform_2(%arg0: i32) -> (i32, i32) {
    %c0_i32 = arith.constant 0 : i32
    %c0_i32_0 = arith.constant 0 : i32
    %c0_i32_1 = arith.constant 0 : i32
    return %c0_i32, %c0_i32_0 : i32, i32
  }
  func.func @transform_3(%arg0: i32) -> (i32, i32) {
    %c0_i32 = arith.constant 0 : i32
    %c0_i32_0 = arith.constant 0 : i32
    return %c0_i32, %arg0 : i32, i32
  }
}

</mosaic_0001>

<sc_bundles>
// kernel: kernel.6.cloned.1.call-start
scs
__scs_entry_jumppad:
0x0: {  	(pc) =	sbr.rel $0x88, $3  }
0x1: {  	(tag) =	ssettag $0x0;
	lr =	simm.s32 $0x1  }
0x2: {  	[smem:$0x3F9A] =	sst lr;
	_ =	strace $0xD0000000  }
0x3: {  	_ = 	snop  }
0x4: {  	_ = 	snop  }
0x5: {  	_ = 	snop  }
0x6: {  	_ = 	snop  }
0x7: {  	_ = 	snop  }
__scs_overlays_trampoline_lowered:
0x8: {  	[smem:$0x3FA9] =	sst s0  }
0x9: {  	[smem:$0x3FAA] =	sst s1  }
0xa: {  	[smem:$0x3FAB] =	sst s2  }
0xb: {  	[smem:$0x3FAC] =	sst s3  }
0xc: {  	[smem:$0x3FAD] =	sst s4  }
0xd: {  	[smem:$0x3FAE] =	sst s5  }
0xe: {  	[smem:$0x3FAF] =	sst s6  }
0xf: {  	[smem:$0x3FB0] =	sst s7  }
0x10: {  	[smem:$0x3FB1] =	sst s8  }
0x11: {  	[smem:$0x3FB2] =	sst s9;
	s0 =	simm.s32 @!p0 $0x0  }
0x12: {  	s1 =	sld [smem:$0x3F98];
	s0 =	simm.s32 @p0 $0x1  }
0x13: {  	[smem:$0x3FB3] =	sst s0;
	s0 =	simm.s32 @!p1 $0x0  }
0x14: {  	s2 =	sld [smem:$0x3F97];
	s0 =	simm.s32 @p1 $0x1  }
0x15: {  	[smem:$0x3FB4] =	sst s0;
	s0 =	simm.s32 @!p2 $0x0  }
0x16: {  	s3 =	sld [smem:$0x3FDB];
	s0 =	simm.s32 @p2 $0x1  }
0x17: {  	s4 =	simm.s32 $0x1BF5;
	[smem:$0x3FB6] =	sst s0  }
0x18: {  	s0 =	sld [smem:$0x3F99];
	_ =	swait.ge [sflag:s4], $0x0  }
0x19: {  	s7 =	sld [smem:$0x3F9A]  }
0x1a: {  	s8 =	sadd.s32 $0xFFFFE003, lr  }
0x1b: {  	s9 =	sadd.s32 $0xFFFFFEF7, lr;
	s5 =	simm.s32 $0xFFFFFFFF;
	p2 =	slt.u32 s8, $0xFFFFF086  }
0x1c: {  	p1 =	slt.u32 s9, $0xF7A;
	s5 =	simm.s32 @!p2 $0x0  }
0x1d: {  	s5 =	simm.s32 @p1 $0x1;
	p0 =	seq.s32 s7, s2  }
0x1e: {  	s7 =	smul.u32 @!p0 $0xF7A, s2;
	p2 =	seq.s32 @!p0 s5, $0x0  }
0x1f: {  	s9 =	smul.u32 $0xF7A, s1;
	s8 =	simm.s32 @!p0 $0x1BF5;
	p2 =	por !p2, p0  }
0x20: {  	[sflag:s8] =	ssyncset.s32 @!p0 $0xFFFFF086;
	s6 =	sadd.s32 @!p0 s3, s7;
	s7 =	simm.s32 @!p0 $0x108  }
0x21: {  	s3 =	sadd.s32 s3, s9;
	s6 =	sadd.s32 @!p0 $0x88, s6;
	s7 =	simm.s32 @p2 $0x1082  }
0x22: {  	[simem:s7], [sflag:s8] =	dma.local @!p0 [hbm:s6], $0xF7A  }
0x23: {  	s9 =	sor.u32 $0xD0000000, s2;
	s6 =	simm.s32 $0x108;
	_ =	swait.ge @!p0 [sflag:s8], $0x0  }
0x24: {  	s3 =	sadd.s32 $0x88, s3;
	s6 =	simm.s32 @!p1 $0x1082;
	[sflag:s4] =	ssyncset.s32 $0xFFFFF086  }
0x25: {  	[simem:s6], [sflag:s4] =	dma.local [hbm:s3], $0xF7A  }
0x26: {  	[smem:$0x3F9A] =	sst s1;
	(tag) =	ssettag s2;
	_ =	strace s9  }
0x27: {  	s1 =	sld [smem:$0x3FAA]  }
0x28: {  	s2 =	sld [smem:$0x3FAB]  }
0x29: {  	s4 =	sld [smem:$0x3FAD]  }
0x2a: {  	p0 =	seq.s32 s5, $0x0;
	s5 =	sld [smem:$0x3FAE]  }
0x2b: {  	s6 =	sld [smem:$0x3FAF]  }
0x2c: {  	s7 =	sld [smem:$0x3FB0]  }
0x2d: {  	s3 =	simm.s32 $0x108;
	s8 =	sld [smem:$0x3FB1]  }
0x2e: {  	s3 =	simm.s32 @!p0 $0x1082;
	s9 =	sld [smem:$0x3FB2]  }
0x2f: {  	lr =	sadd.s32 s0, s3;
	s0 =	sld [smem:$0x3FA9]  }
0x30: {  	s3 =	sld [smem:$0x3FAC]  }
0x31: {  	[smem:$0x3FB5] =	sst s10  }
0x32: {  	s10 =	sld [smem:$0x3FB3];
	_ =	sdelay $0x3  }
0x33: {  	p0 =	seq.s32 s10, $0x1;
	s10 =	sld [smem:$0x3FB5];
	_ =	sdelay $0x3  }
0x34: {  	[smem:$0x3FB5] =	sst s10  }
0x35: {  	s10 =	sld [smem:$0x3FB4];
	_ =	sdelay $0x3  }
0x36: {  	p1 =	seq.s32 s10, $0x1;
	s10 =	sld [smem:$0x3FB5];
	_ =	sdelay $0x3  }
0x37: {  	[smem:$0x3FB5] =	sst s10  }
0x38: {  	s10 =	sld [smem:$0x3FB6]  }
0x39: {  	_ = 	snop;
	(pc) =	sbr.ind lr, $3  }
0x3a: {  	_ = 	snop  }
0x3b: {  	_ = 	snop  }
0x3c: {  	p2 =	seq.s32 s10, $0x1;
	s10 =	sld [smem:$0x3FB5]  }
0x3d: {  	_ =	shalt  }
0x3e: {  	_ =	shalt  }
0x3f: {  	_ =	shalt  }
0x40: {  	_ =	shalt  }
0x41: {  	_ =	shalt  }
0x42: {  	_ =	shalt  }
0x43: {  	_ =	shalt  }
0x44: {  	_ =	shalt  }
0x45: {  	_ =	shalt  }
0x46: {  	_ =	shalt  }
0x47: {  	_ =	shalt  }
0x48: {  	_ =	shalt  }
0x49: {  	_ =	shalt  }
0x4a: {  	_ =	shalt  }
0x4b: {  	_ =	shalt  }
0x4c: {  	_ =	shalt  }
0x4d: {  	_ =	shalt  }
0x4e: {  	_ =	shalt  }
0x4f: {  	_ =	shalt  }
0x50: {  	_ =	shalt  }
0x51: {  	_ =	shalt  }
0x52: {  	_ =	shalt  }
0x53: {  	_ =	shalt  }
0x54: {  	_ =	shalt  }
0x55: {  	_ =	shalt  }
0x56: {  	_ =	shalt  }
0x57: {  	_ =	shalt  }
0x58: {  	_ =	shalt  }
0x59: {  	_ =	shalt  }
0x5a: {  	_ =	shalt  }
0x5b: {  	_ =	shalt  }
0x5c: {  	_ =	shalt  }
0x5d: {  	_ =	shalt  }
0x5e: {  	_ =	shalt  }
0x5f: {  	_ =	shalt  }
0x60: {  	_ =	shalt  }
0x61: {  	_ =	shalt  }
0x62: {  	_ =	shalt  }
0x63: {  	_ =	shalt  }
0x64: {  	_ =	shalt  }
0x65: {  	_ =	shalt  }
0x66: {  	_ =	shalt  }
0x67: {  	_ =	shalt  }
0x68: {  	_ =	shalt  }
0x69: {  	_ =	shalt  }
0x6a: {  	_ =	shalt  }
0x6b: {  	_ =	shalt  }
0x6c: {  	_ =	shalt  }
0x6d: {  	_ =	shalt  }
0x6e: {  	_ =	shalt  }
0x6f: {  	_ =	shalt  }
0x70: {  	_ =	shalt  }
0x71: {  	_ =	shalt  }
0x72: {  	_ =	shalt  }
0x73: {  	_ =	shalt  }
0x74: {  	_ =	shalt  }
0x75: {  	_ =	shalt  }
0x76: {  	_ =	shalt  }
0x77: {  	_ =	shalt  }
0x78: {  	_ =	shalt  }
0x79: {  	_ =	shalt  }
0x7a: {  	_ =	shalt  }
0x7b: {  	_ =	shalt  }
0x7c: {  	_ =	shalt  }
0x7d: {  	_ =	shalt  }
0x7e: {  	_ =	shalt  }
0x7f: {  	_ =	shalt  }
0x80: {  	_ =	shalt  }
0x81: {  	_ =	shalt  }
0x82: {  	_ =	shalt  }
0x83: {  	_ =	shalt  }
0x84: {  	_ =	shalt  }
0x85: {  	_ =	shalt  }
0x86: {  	_ =	shalt  }
0x87: {  	_ =	shalt  }
.Lfunc_end0:
.L_simem_size_0:
called_computation_lowered:
.L_overlay_start_0:
0x88: {  	s2 =	sld [smem:$0x3FD9]  }
0x89: {  	s3 =	sld [smem:$0x3FFE];
	_ =	sdelay $0x1  }
0x8a: {  	s1 =	srdreg.scid  }
0x8b: {  	s0 =	sand.u32 $0x1, s1  }
0x8c: {  	s17 =	sshll.u32 s0, $0xA;
	s2 =	sadd.s32 s3, s2  }
0x8d: {  	s2 =	sadd.s32 s2, s17  }
0x8e: {  	[smem:$0x3FC1] =	sst s2  }
0x8f: {  	_ = 	snop  }
0x90: {  	s2 =	sld [smem:$0x3FD0];
	(tm) =	ssettm $0x1  }
0x91: {  	s18 =	sld [smem:$0x3FFB];
	_ =	sdelay $0x3  }
0x92: {  	_ =	strace s18  }
0x93: {  	s3 =	sld [smem:$0x3FFC];
	_ =	sdelay $0x3  }
0x94: {  	_ =	strace s3  }
0x95: {  	s3 =	sld [smem:$0x3FFD];
	_ =	sdelay $0x3  }
0x96: {  	_ =	strace s3  }
0x97: {  	_ =	strace $0x8FFFFFFF  }
0x98: {  	s19 =	sld [smem:$0x3FDB];
	_ =	sdelay $0x1  }
0x99: {  	s4 =	simm.s32 $_scs_section_size  }
0x9a: {  	s5 =	simm.s32 $_size__tile_overlayer_lowered;
	s6 =	simm.s32 $_tile_overlayer_lowered  }
0x9b: {  	s22 =	simm.s32 $0x1BFF;
	s21 =	sshll.u32 s6, $0x1;
	s3 =	sadd.s32 s4, s19  }
0x9c: {  	s7 =	simm.s32 $0x0;
	s20 =	sshll.u32 s5, $0x1;
	s5 =	sadd.s32 s21, s3  }
0x9d: {  	[timem:s7], [sflag:s22] =	dma.local [hbm:s5], s20  }
0x9e: {  	_ =	swait.ge [sflag:s22], s20  }
0x9f: {  	s4 =	ssub.s32 $0x0, s20;
	[sflag:s22] =	ssyncset.done $0x0  }
0xa0: {  	[sflag:s22] =	ssyncadd.s32 s4;
	_ =	sdelay $0x1  }
0xa1: {  	s23 =	simm.s32 $0x1B8B  }
0xa2: {  	_ =	swait.ge [sflag:s23], $0x1  }
0xa3: {  	[sflag:s23] =	ssyncset.done $0x0  }
0xa4: {  	s25 =	simm.s32 $0x1B8E;
	s24 =	sld [smem:$0x3FFE];
	[sflag:s23] =	ssyncadd.s32 $0xFFFFFFFF  }
0xa5: {  	s26 =	simm.s32 $execute0_lowered;
	[smem:$0x3FD2] =	sst s25  }
0xa6: {  	s5 =	sshll.u32 s26, $0x1;
	_ =	strace $0x80000046;
	[dreg:$0x1] =	wrdreg $0xFFFFFFFF  }
0xa7: {  	s28 =	simm.s32 $_size_execute0_lowered;
	s3 =	sadd.s32 s3, s5;
	[dreg:$0x0] =	wrdreg $0x0  }
0xa8: {  	s5 =	sshll.u32 s28, $0x1;
	[dreg:$0x2] =	wrdreg s3  }
0xa9: {  	[dreg:$0x3] =	wrdreg s5  }
0xaa: {  	[dreg:$0x4] =	wrdreg $0xC0  }
0xab: {  	_ =	task [dreg:s7], $0x5FFFF  }
0xac: {  	[dreg:$0x1] =	wrdreg $0xFFFFFFFF  }
0xad: {  	[dreg:$0x0] =	wrdreg $0x60  }
0xae: {  	[dreg:$0x2] =	wrdreg s2  }
0xaf: {  	[dreg:$0x3] =	wrdreg s24  }
0xb0: {  	[dreg:$0x4] =	wrdreg $0x9  }
0xb1: {  	_ =	task.clear_ibuf [dreg:s7], $0x5FFFF;
	_ =	strace $0x90000046  }
0xb2: {  	s29 =	simm.s32 $0x9;
	_ =	strace $0x80000048  }
0xb3: {  	_ =	swait.ge [sflag:s29], $0x1  }
0xb4: {  	[sflag:s29] =	ssyncadd.s32 $0xFFFFFFFF  }
0xb5: {  	_ =	strace $0x90000048  }
0xb6: {  	_ =	sfence  }
0xb7: {  	s30 =	sld [smem:$0x0];
	_ =	sdelay $0x2  }
0xb8: {  	s31 =	sshll.u32 s1, $0xD;
	s1 =	sshrl.u32 s1, $0x2  }
0xb9: {  	s3 =	sand.u32 $0x4000, s31;
	s1 =	sadd.s32 s1, s30  }
0xba: {  	s0 =	sor.u32 s3, s0;
	s1 =	sshll.u32 s1, $0x11  }
0xbb: {  	s0 =	sor.u32 s1, s0  }
0xbc: {  	s0 =	sadd.s32 $0x8F2B, s0  }
0xbd: {  	[sflag:s0] =	ssyncadd.remote.s32 $0x1  }
0xbe: {  	_ =	sfence.sel $0xFFFF  }
0xbf: {  	[dreg:$0x0] =	wrdreg $0xFFFFFFFF;
	(pc) =	sbr.abs _section_cstart, $3  }
0xc0: {  	[dreg:$0x1] =	wrdreg $0xFFFFFFFF  }
0xc1: {  	_ =	task.clear_ibuf [dreg:s7], $0x2FFFF;
	_ =	strace $0x9FFFFFFF  }
0xc2: {  	(tm) =	ssettm $0x7FFFFFFF  }
0xc3: {  	_ =	shalt  }
tec
execute0_lowered:
.L_overlay_start_1:
0x0: {  	(tag) =	ssettag $0x1  }
0x1: {  	s3 =	rddreg [dreg:$0x0]  }
0x2: {  	s4 =	rddreg [dreg:$0x1]  }
0x3: {  	s0 =	rddreg [dreg:$0x2]  }
0x4: {  	s5 =	srdreg.scid;
	s1 =	stileid.u32;
	s2 =	simm.s32 $0x0  }
0x5: {  	s10 =	simm.s32 $0x0;
	s5 =	sand.u32 $0x1, s5;
	s6 =	sshll.u32 s1, $0x1  }
0x6: {  	[smem:$0x7FF] =	sst s2;
	s8 =	sshll.u32 s1, $0xA;
	s6 =	sor.u32 s5, s6  }
0x7: {  	_ =	strace $0x80000047;
	s5 =	ssub.s32 $0x2, s5;
	s8 =	sand.u32 $0x3000, s8  }
0x8: {  	s7 =	sshll.u32 s6, $0x6;
	s9 =	sshrl.u32 s5, $0x1;
	s6 =	sshll.u32 s6, $0x9  }
0x9: {  	s8 =	sadd.s32 s8, s4;
	s7 =	sadd.s32 s7, s4;
	s9 =	ssub.s32 s5, s9  }
0xa: {  	s31 =	sand.u32 $0xE00, s6;
	s3 =	sadd.s32 s3, s6;
	s4 =	sadd.s32 $0x1000, s7  }
0xb: {  	s5 =	sadd.s32 s31, s8;
	s6 =	smax.u32 s9, $0x1;
	s7 =	simm.s32 $0x1  }
0xc: {  	s8 =	simm.s32 $0x2000;
	s9 =	simm.s32 $0x1000;
	s5 =	sadd.s32 $0x1800, s5  }
.LBB2_1:
0xd: {  	[tilespmem:s2], [sflag:$0x1] =	stream.linear.gather [hbm4b:s3+s2], $0x1000, $0x38;
	[tilespmem:$0x2200] =	vst v63  }
0xe: {  	_ =	swait.ge [sflag:s7], $0x1000  }
0xf: {  	[sflag:s7] =	ssyncset.done $0x0  }
0x10: {  	[sflag:s7] =	ssyncadd.s32 $0xFFFFF000  }
0x11: {  	[tilespmem:s8], [sflag:$0x1] =	stream.linear.gather [hbm4b:s4+s2], $0x200, $0x38;
	[tilespmem:$0x2200] =	vst v63  }
0x12: {  	_ =	swait.ge [sflag:s7], $0x200  }
0x13: {  	s11 =	sand.u32 $0x70, s2;
	s12 =	sand.u32 $0xC00, s2;
	[sflag:s7] =	ssyncset.done $0x0  }
0x14: {  	s11 =	sor.u32 s11, s12;
	[sflag:s7] =	ssyncadd.s32 $0xFFFFFE00  }
0x15: {  	v1 =	vld [tilespmem:s11+$0x0]  }
0x16: {  	s12 =	sor.u32 s12, s2;
	v2 =	vld [tilespmem:s11+$0x80]  }
0x17: {  	s12 =	sor.u32 $0x180, s12;
	v3 =	vld [tilespmem:s11+$0x100]  }
0x18: {  	v4 =	vld [tilespmem:s12+$0x0]  }
0x19: {  	v5 =	vld [tilespmem:s11+$0x200]  }
0x1a: {  	s13 =	sor.u32 s2, s2;
	v6 =	vld [tilespmem:s11+$0x280]  }
0x1b: {  	s13 =	sor.u32 $0x380, s13;
	v7 =	vld [tilespmem:s11+$0x300];
	v0 =	vmax.f32 v1, v2  }
0x1c: {  	v8 =	vld [tilespmem:s13+$0x0];
	v0 =	vmax.f32 v0, v3  }
0x1d: {  	v0 =	vmax.f32 v0, v4  }
0x1e: {  	v9 =	vmax.f32 v0, v5  }
0x1f: {  	v0 =	vld [tilespmem:$0x2000];
	v9 =	vmax.f32 v9, v6  }
0x20: {  	v9 =	vmax.f32 v9, v7  }
0x21: {  	v9 =	vmax.f32 v9, v8  }
0x22: {  	v1 =	vsub.f32 v1, v9  }
0x23: {  	v2 =	vsub.f32 v2, v9  }
0x24: {  	v1 =	vmul.f32 v1, v0  }
0x25: {  	v3 =	vsub.f32 v3, v9;
	v2 =	vmul.f32 v2, v0  }
0x26: {  	v4 =	vsub.f32 v4, v9;
	v1 =	vmul.f32 $1.442695020e+00, v1  }
0x27: {  	v3 =	vmul.f32 v3, v0;
	v2 =	vmul.f32 $1.442695020e+00, v2  }
0x28: {  	v4 =	vmul.f32 v4, v0;
	(erf) = vpow2.f32 v1  }
0x29: {  	v5 =	vsub.f32 v5, v9;
	v1 =	vmul.f32 $1.442695020e+00, v3;
	(erf) = vpow2.f32 v2  }
0x2a: {  	v4 =	vmul.f32 $1.442695020e+00, v4;
	v3 =	vsub.f32 v6, v9  }
0x2b: {  	v2 =	vmul.f32 v5, v0;
	(erf) = vpow2.f32 v1  }
0x2c: {  	v1 =	vsub.f32 v7, v9;
	v3 =	vmul.f32 v3, v0  }
0x2d: {  	v2 =	vmul.f32 $1.442695020e+00, v2;
	(erf) = vpow2.f32 v4;
	v4 =	vsub.f32 v8, v9  }
0x2e: {  	v1 =	vmul.f32 v1, v0;
	v3 =	vmul.f32 $1.442695020e+00, v3  }
0x2f: {  	(erf) = vpow2.f32 v2  }
0x30: {  	v2 =	vmul.f32 v4, v0;
	v1 =	vmul.f32 $1.442695020e+00, v1  }
0x31: {  	v4 =	vpop (erf);
	(erf) = vpow2.f32 v3  }
0x32: {  	v2 =	vmul.f32 $1.442695020e+00, v2;
	v3 =	vpop (erf)  }
0x33: {  	(erf) = vpow2.f32 v1;
	v5 =	vadd.f32 v3, v4  }
0x34: {  	v1 =	vpop (erf)  }
0x35: {  	(erf) = vpow2.f32 v2;
	v5 =	vadd.f32 v5, v1  }
0x36: {  	v2 =	vpop (erf)  }
0x37: {  	v5 =	vadd.f32 v5, v2  }
0x38: {  	v6 =	vpop (erf)  }
0x39: {  	v5 =	vadd.f32 v5, v6  }
0x3a: {  	v7 =	vpop (erf)  }
0x3b: {  	v5 =	vadd.f32 v5, v7  }
0x3c: {  	v8 =	vpop (erf)  }
0x3d: {  	v5 =	vadd.f32 v5, v8  }
0x3e: {  	v9 =	vpop (erf)  }
0x3f: {  	v5 =	vadd.f32 v5, v9;
	_ =	sdelay $0x1  }
0x40: {  	(erf) = vrcp.f32 v5;
	_ =	sdelay $0x8  }
0x41: {  	v5 =	vpop (erf)  }
0x42: {  	v5 =	vmul.f32 $8.500000230e-01, v5;
	_ =	sdelay $0x1  }
0x43: {  	v4 =	vmul.f32 v5, v4;
	v3 =	vmul.f32 v5, v3  }
0x44: {  	v1 =	vmul.f32 v5, v1  }
0x45: {  	v2 =	vmul.f32 v5, v2;
	v4 =	vadd.f32 $1.875000070e-02, v4;
	v3 =	vadd.f32 $1.875000070e-02, v3  }
0x46: {  	v6 =	vmul.f32 v5, v6;
	v1 =	vadd.f32 $1.875000070e-02, v1  }
0x47: {  	v7 =	vmul.f32 v5, v7;
	v2 =	vadd.f32 $1.875000070e-02, v2;
	v10 =	vmax.f32 v4, v3  }
0x48: {  	v8 =	vmul.f32 v5, v8;
	v6 =	vadd.f32 $1.875000070e-02, v6;
	v10 =	vmax.f32 v10, v1  }
0x49: {  	v5 =	vmul.f32 v5, v9;
	v7 =	vadd.f32 $1.875000070e-02, v7;
	v9 =	vmax.f32 v10, v2  }
0x4a: {  	v8 =	vadd.f32 $1.875000070e-02, v8;
	v9 =	vmax.f32 v9, v6  }
0x4b: {  	v5 =	vadd.f32 $1.875000070e-02, v5;
	v9 =	vmax.f32 v9, v7  }
0x4c: {  	v9 =	vmax.f32 v9, v8  }
0x4d: {  	v9 =	vmax.f32 v9, v5  }
0x4e: {  	vm0 =	vge.f32 v4, v9;
	vm1 =	vge.f32 v3, v9  }
0x4f: {  	v4 =	vnsel vm0, $0x0, v4;
	v3 =	vnsel vm1, $0x0, v3  }
0x50: {  	vm10 =	vge.f32 v1, v9;
	v10 =	vadd.f32 v3, v4  }
0x51: {  	v11 =	vnsel vm10, $0x0, v1  }
0x52: {  	vm11 =	vge.f32 v2, v9;
	v1 =	vadd.f32 v10, v11  }
0x53: {  	v2 =	vnsel vm11, $0x0, v2  }
0x54: {  	vm12 =	vge.f32 v6, v9;
	v1 =	vadd.f32 v1, v2  }
0x55: {  	v6 =	vnsel vm12, $0x0, v6  }
0x56: {  	vm13 =	vge.f32 v7, v9;
	v1 =	vadd.f32 v1, v6  }
0x57: {  	v7 =	vnsel vm13, $0x0, v7  }
0x58: {  	vm14 =	vge.f32 v8, v9;
	v1 =	vadd.f32 v1, v7  }
0x59: {  	v8 =	vnsel vm14, $0x0, v8  }
0x5a: {  	vm15 =	vge.f32 v5, v9;
	v1 =	vadd.f32 v1, v8  }
0x5b: {  	v9 =	vnsel vm15, $0x0, v5  }
0x5c: {  	v1 =	vadd.f32 v1, v9;
	_ =	sdelay $0x1  }
0x5d: {  	v1 =	vmax.f32 v1, $9.999999710e-10  }
0x5e: {  	(erf) = vrcp.f32 v1;
	_ =	sdelay $0x6  }
0x5f: {  	v1 =	vld [tilespmem:$0x2080];
	_ =	sdelay $0x1  }
0x60: {  	v10 =	vpop (erf)  }
0x61: {  	v4 =	vmul.f32 v10, v4;
	v5 =	vmul.f32 v10, v3  }
0x62: {  	v11 =	vmul.f32 v10, v11  }
0x63: {  	v2 =	vmul.f32 v10, v2;
	v3 =	vsub.f32 v4, v1;
	v12 =	vsub.f32 v5, v1  }
0x64: {  	v6 =	vmul.f32 v10, v6;
	v13 =	vsub.f32 v11, v1  }
0x65: {  	v14 =	vsub.f32 v2, v1;
	v15 =	vmax.f32 v3, $0.0e+00;
	v17 =	vmax.f32 v12, $0.0e+00  }
0x66: {  	v18 =	vmax.f32 v13, $0.0e+00;
	v3 =	vsub.f32 v4, v15;
	v4 =	vsub.f32 v5, v17  }
0x67: {  	v12 =	vmul.f32 v10, v7;
	v7 =	vsub.f32 v6, v1;
	v5 =	vsub.f32 v11, v18  }
0x68: {  	v19 =	vmax.f32 v14, $0.0e+00;
	v11 =	vsub.f32 v1, v3;
	v13 =	vsub.f32 v1, v4  }
0x69: {  	v14 =	vsub.f32 v12, v1;
	v20 =	vmax.f32 v7, $0.0e+00;
	v7 =	vsub.f32 v2, v19  }
0x6a: {  	v2 =	vsub.f32 v1, v5;
	v21 =	vmax.f32 v11, $0.0e+00;
	v22 =	vmax.f32 v13, $0.0e+00  }
0x6b: {  	v6 =	vsub.f32 v6, v20;
	v13 =	vmul.f32 v10, v8;
	v8 =	vadd.f32 v22, v21  }
0x6c: {  	v23 =	vmax.f32 v14, $0.0e+00;
	v14 =	vsub.f32 v1, v7;
	v11 =	vmax.f32 v2, $0.0e+00  }
0x6d: {  	v2 =	vmul.f32 v10, v9;
	v9 =	vsub.f32 v13, v1;
	v10 =	vadd.f32 v8, v11  }
0x6e: {  	v16 =	vsub.f32 v1, v6;
	v8 =	vsub.f32 v12, v23;
	v12 =	vmax.f32 v14, $0.0e+00  }
0x6f: {  	v14 =	vsub.f32 v2, v1;
	v24 =	vmax.f32 v9, $0.0e+00;
	v10 =	vadd.f32 v10, v12  }
0x70: {  	v25 =	vsub.f32 v1, v8;
	v9 =	vsub.f32 v13, v24;
	v13 =	vmax.f32 v16, $0.0e+00  }
0x71: {  	v26 =	vmax.f32 v14, $0.0e+00;
	v14 =	vadd.f32 v10, v13  }
0x72: {  	v10 =	vsub.f32 v2, v26;
	v16 =	vmax.f32 v25, $0.0e+00;
	v2 =	vsub.f32 v1, v9  }
0x73: {  	v25 =	vadd.f32 v14, v16  }
0x74: {  	v14 =	vmax.f32 v2, $0.0e+00;
	v2 =	vsub.f32 v1, v10  }
0x75: {  	v25 =	vadd.f32 v25, v14  }
0x76: {  	v17 =	vadd.f32 v17, v15;
	v15 =	vmax.f32 v2, $0.0e+00  }
0x77: {  	v2 =	vadd.f32 v25, v15  }
0x78: {  	v17 =	vadd.f32 v17, v18  }
0x79: {  	v2 =	vmax.f32 v2, $9.999999930e-09  }
0x7a: {  	v17 =	vadd.f32 v17, v19;
	(erf) = vrcp.f32 v2;
	_ =	sdelay $0x1  }
0x7b: {  	v2 =	vadd.f32 v17, v20;
	_ =	sdelay $0x1  }
0x7c: {  	v2 =	vadd.f32 v2, v23;
	_ =	sdelay $0x1  }
0x7d: {  	v2 =	vadd.f32 v2, v24;
	_ =	sdelay $0x1  }
0x7e: {  	v2 =	vadd.f32 v2, v26  }
0x7f: {  	v17 =	vpop (erf)  }
0x80: {  	v17 =	vmul.f32 v17, v2;
	_ =	sdelay $0x1  }
0x81: {  	s14 =	simm.s32 $0x10;
	s15 =	simm.s32 $0x0;
	v2 =	vld [tilespmem:$0x2100];
	v18 =	vmul.f32 v17, v21;
	v19 =	vmul.f32 v17, v22  }
.LBB2_2:
0x82: {  	p0 =	sne.s32 s14, $0x1F0  }
0x83: {  	v11 =	vmul.f32 v17, v11;
	v12 =	vmul.f32 v17, v12;
	s15 =	sadd.s32 $0x80, s15;
	s16 =	smov.u32 s14;
	s14 =	sadd.s32 $0x10, s14  }
0x84: {  	v13 =	vmul.f32 v17, v13;
	v3 =	vadd.f32 v18, v3;
	v4 =	vadd.f32 v19, v4  }
0x85: {  	v5 =	vadd.f32 v11, v5;
	v7 =	vadd.f32 v12, v7;
	v11 =	vmul.f32 v17, v16  }
0x86: {  	v6 =	vadd.f32 v13, v6;
	v3 =	vmul.f32 v3, v2;
	v4 =	vmul.f32 v4, v2  }
0x87: {  	v5 =	vmul.f32 v5, v2;
	v8 =	vadd.f32 v11, v8;
	v11 =	vmul.f32 v17, v14  }
0x88: {  	s17 =	sand.u32 $0x70, s16;
	s18 =	sand.u32 $0xC00, s15;
	[tilespmem:s11+$0x1080] =	vst v4;
	v4 =	vmul.f32 v17, v15  }
0x89: {  	s17 =	sor.u32 s17, s18;
	s18 =	sor.u32 s18, s16;
	[tilespmem:s11+$0x1100] =	vst v5;
	v5 =	vmul.f32 v7, v2;
	v7 =	vadd.f32 v11, v9  }
0x8a: {  	[tilespmem:s11+$0x1000] =	vst v3;
	v3 =	vmul.f32 v6, v2;
	v4 =	vadd.f32 v4, v10  }
0x8b: {  	[tilespmem:s12+$0x1000] =	vst v5;
	v5 =	vmul.f32 v8, v2  }
0x8c: {  	[tilespmem:s11+$0x1200] =	vst v3;
	v3 =	vmul.f32 v7, v2;
	v4 =	vmul.f32 v4, v2  }
0x8d: {  	s12 =	sor.u32 $0x180, s18;
	[tilespmem:s11+$0x1280] =	vst v5  }
0x8e: {  	[tilespmem:s11+$0x1300] =	vst v3;
	s11 =	smov.u32 s17  }
0x8f: {  	[tilespmem:s13+$0x1000] =	vst v4  }
0x90: {  	v3 =	vld [tilespmem:s11+$0x0]  }
0x91: {  	v4 =	vld [tilespmem:s11+$0x80]  }
0x92: {  	v5 =	vld [tilespmem:s11+$0x100]  }
0x93: {  	v6 =	vld [tilespmem:s12+$0x0]  }
0x94: {  	v7 =	vld [tilespmem:s11+$0x200]  }
0x95: {  	s13 =	sor.u32 s15, s16;
	v8 =	vld [tilespmem:s11+$0x280]  }
0x96: {  	s13 =	sor.u32 $0x380, s13;
	v9 =	vld [tilespmem:s11+$0x300];
	v10 =	vmax.f32 v3, v4  }
0x97: {  	v11 =	vld [tilespmem:s13+$0x0];
	v10 =	vmax.f32 v10, v5  }
0x98: {  	v10 =	vmax.f32 v10, v6  }
0x99: {  	v10 =	vmax.f32 v10, v7  }
0x9a: {  	v10 =	vmax.f32 v10, v8  }
0x9b: {  	v10 =	vmax.f32 v10, v9  }
0x9c: {  	v10 =	vmax.f32 v10, v11  }
0x9d: {  	v3 =	vsub.f32 v3, v10;
	v4 =	vsub.f32 v4, v10  }
0x9e: {  	v5 =	vsub.f32 v5, v10;
	v6 =	vsub.f32 v6, v10  }
0x9f: {  	v7 =	vsub.f32 v7, v10;
	v3 =	vmul.f32 v3, v0;
	v4 =	vmul.f32 v4, v0  }
0xa0: {  	v8 =	vsub.f32 v8, v10;
	v9 =	vsub.f32 v9, v10;
	v6 =	vmul.f32 v6, v0  }
0xa1: {  	v10 =	vsub.f32 v11, v10;
	v3 =	vmul.f32 $1.442695020e+00, v3;
	v4 =	vmul.f32 $1.442695020e+00, v4  }
0xa2: {  	v5 =	vmul.f32 v5, v0;
	v6 =	vmul.f32 $1.442695020e+00, v6  }
0xa3: {  	v7 =	vmul.f32 v7, v0;
	(erf) = vpow2.f32 v3  }
0xa4: {  	v3 =	vmul.f32 $1.442695020e+00, v5;
	(erf) = vpow2.f32 v4  }
0xa5: {  	v5 =	vmul.f32 v8, v0;
	v4 =	vmul.f32 $1.442695020e+00, v7  }
0xa6: {  	v7 =	vmul.f32 v9, v0;
	(erf) = vpow2.f32 v3  }
0xa7: {  	v3 =	vmul.f32 $1.442695020e+00, v5;
	v5 =	vmul.f32 v10, v0  }
0xa8: {  	v7 =	vmul.f32 $1.442695020e+00, v7;
	(erf) = vpow2.f32 v6  }
0xa9: {  	v5 =	vmul.f32 $1.442695020e+00, v5  }
0xaa: {  	(erf) = vpow2.f32 v4;
	_ =	sdelay $0x1  }
0xab: {  	v4 =	vpop (erf);
	(erf) = vpow2.f32 v3  }
0xac: {  	v3 =	vpop (erf)  }
0xad: {  	v6 =	vadd.f32 v3, v4;
	(erf) = vpow2.f32 v7  }
0xae: {  	v7 =	vpop (erf)  }
0xaf: {  	v6 =	vadd.f32 v6, v7;
	(erf) = vpow2.f32 v5  }
0xb0: {  	v5 =	vpop (erf)  }
0xb1: {  	v6 =	vadd.f32 v6, v5  }
0xb2: {  	v8 =	vpop (erf)  }
0xb3: {  	v6 =	vadd.f32 v6, v8  }
0xb4: {  	v9 =	vpop (erf)  }
0xb5: {  	v6 =	vadd.f32 v6, v9  }
0xb6: {  	v10 =	vpop (erf)  }
0xb7: {  	v6 =	vadd.f32 v6, v10  }
0xb8: {  	v11 =	vpop (erf)  }
0xb9: {  	v6 =	vadd.f32 v6, v11;
	_ =	sdelay $0x1  }
0xba: {  	(erf) = vrcp.f32 v6;
	_ =	sdelay $0x8  }
0xbb: {  	v6 =	vpop (erf)  }
0xbc: {  	v6 =	vmul.f32 $8.500000230e-01, v6;
	_ =	sdelay $0x1  }
0xbd: {  	v4 =	vmul.f32 v6, v4;
	v3 =	vmul.f32 v6, v3  }
0xbe: {  	v7 =	vmul.f32 v6, v7;
	v5 =	vmul.f32 v6, v5  }
0xbf: {  	v8 =	vmul.f32 v6, v8;
	v4 =	vadd.f32 $1.875000070e-02, v4;
	v3 =	vadd.f32 $1.875000070e-02, v3  }
0xc0: {  	v9 =	vmul.f32 v6, v9;
	v10 =	vmul.f32 v6, v10;
	v7 =	vadd.f32 $1.875000070e-02, v7  }
0xc1: {  	v6 =	vmul.f32 v6, v11;
	v5 =	vadd.f32 $1.875000070e-02, v5;
	v11 =	vmax.f32 v4, v3  }
0xc2: {  	v8 =	vadd.f32 $1.875000070e-02, v8;
	v11 =	vmax.f32 v11, v7  }
0xc3: {  	v9 =	vadd.f32 $1.875000070e-02, v9;
	v11 =	vmax.f32 v11, v5  }
0xc4: {  	v10 =	vadd.f32 $1.875000070e-02, v10;
	v11 =	vmax.f32 v11, v8  }
0xc5: {  	v6 =	vadd.f32 $1.875000070e-02, v6;
	v11 =	vmax.f32 v11, v9  }
0xc6: {  	v11 =	vmax.f32 v11, v10  }
0xc7: {  	v11 =	vmax.f32 v11, v6  }
0xc8: {  	vm0 =	vge.f32 v4, v11;
	vm1 =	vge.f32 v3, v11;
	vm2 =	vge.f32 v7, v11  }
0xc9: {  	v4 =	vnsel vm0, $0x0, v4;
	v3 =	vnsel vm1, $0x0, v3;
	vm0 =	vge.f32 v5, v11  }
0xca: {  	vm3 =	vge.f32 v9, v11;
	vm1 =	vge.f32 v8, v11;
	v12 =	vadd.f32 v3, v4  }
0xcb: {  	v7 =	vnsel vm2, $0x0, v7;
	v9 =	vnsel vm3, $0x0, v9;
	v8 =	vnsel vm1, $0x0, v8  }
0xcc: {  	vm2 =	vge.f32 v6, v11;
	vm1 =	vge.f32 v10, v11;
	v11 =	vadd.f32 v12, v7  }
0xcd: {  	v5 =	vnsel vm0, $0x0, v5;
	v10 =	vnsel vm1, $0x0, v10;
	v12 =	vnsel vm2, $0x0, v6  }
0xce: {  	v6 =	vadd.f32 v11, v5;
	_ =	sdelay $0x1  }
0xcf: {  	v6 =	vadd.f32 v6, v8;
	_ =	sdelay $0x1  }
0xd0: {  	v6 =	vadd.f32 v6, v9;
	_ =	sdelay $0x1  }
0xd1: {  	v6 =	vadd.f32 v6, v10;
	_ =	sdelay $0x1  }
0xd2: {  	v6 =	vadd.f32 v6, v12;
	_ =	sdelay $0x1  }
0xd3: {  	v6 =	vmax.f32 v6, $9.999999710e-10  }
0xd4: {  	(erf) = vrcp.f32 v6;
	_ =	sdelay $0x8  }
0xd5: {  	v13 =	vpop (erf)  }
0xd6: {  	v4 =	vmul.f32 v13, v4;
	v6 =	vmul.f32 v13, v3  }
0xd7: {  	v7 =	vmul.f32 v13, v7;
	v11 =	vmul.f32 v13, v5  }
0xd8: {  	v8 =	vmul.f32 v13, v8;
	v3 =	vsub.f32 v4, v1;
	v5 =	vsub.f32 v6, v1  }
0xd9: {  	v9 =	vmul.f32 v13, v9;
	v14 =	vsub.f32 v7, v1;
	v15 =	vsub.f32 v11, v1  }
0xda: {  	v18 =	vsub.f32 v8, v1;
	v16 =	vmax.f32 v3, $0.0e+00;
	v17 =	vmax.f32 v5, $0.0e+00  }
0xdb: {  	v14 =	vmax.f32 v14, $0.0e+00;
	v3 =	vsub.f32 v4, v16;
	v4 =	vsub.f32 v6, v17  }
0xdc: {  	v19 =	vsub.f32 v9, v1;
	v15 =	vmax.f32 v15, $0.0e+00;
	v5 =	vsub.f32 v7, v14  }
0xdd: {  	v10 =	vmul.f32 v13, v10;
	v20 =	vsub.f32 v1, v3;
	v21 =	vsub.f32 v1, v4  }
0xde: {  	v18 =	vmax.f32 v18, $0.0e+00;
	v7 =	vsub.f32 v11, v15;
	v11 =	vsub.f32 v1, v5  }
0xdf: {  	v6 =	vsub.f32 v8, v18;
	v20 =	vmax.f32 v20, $0.0e+00;
	v21 =	vmax.f32 v21, $0.0e+00  }
0xe0: {  	v19 =	vmax.f32 v19, $0.0e+00;
	v22 =	vsub.f32 v1, v7;
	v23 =	vadd.f32 v21, v20  }
0xe1: {  	v8 =	vsub.f32 v9, v19;
	v24 =	vsub.f32 v1, v6;
	v11 =	vmax.f32 v11, $0.0e+00  }
0xe2: {  	v25 =	vmul.f32 v13, v12;
	v9 =	vsub.f32 v10, v1;
	v13 =	vadd.f32 v23, v11  }
0xe3: {  	v16 =	vadd.f32 v17, v16;
	v17 =	vsub.f32 v1, v8;
	v12 =	vmax.f32 v22, $0.0e+00  }
0xe4: {  	v22 =	vmax.f32 v9, $0.0e+00;
	v23 =	vsub.f32 v25, v1;
	v26 =	vadd.f32 v13, v12  }
0xe5: {  	v14 =	vadd.f32 v16, v14;
	v9 =	vsub.f32 v10, v22;
	v13 =	vmax.f32 v24, $0.0e+00  }
0xe6: {  	v23 =	vmax.f32 v23, $0.0e+00;
	v24 =	vadd.f32 v26, v13  }
0xe7: {  	v16 =	vmax.f32 v17, $0.0e+00;
	v17 =	vsub.f32 v1, v9;
	v10 =	vsub.f32 v25, v23  }
0xe8: {  	v15 =	vadd.f32 v14, v15;
	v24 =	vadd.f32 v24, v16  }
0xe9: {  	v14 =	vmax.f32 v17, $0.0e+00;
	v17 =	vsub.f32 v1, v10  }
0xea: {  	v18 =	vadd.f32 v15, v18;
	v24 =	vadd.f32 v24, v14  }
0xeb: {  	v15 =	vmax.f32 v17, $0.0e+00  }
0xec: {  	v17 =	vadd.f32 v18, v19;
	v18 =	vadd.f32 v24, v15;
	_ =	sdelay $0x1  }
0xed: {  	v17 =	vadd.f32 v17, v22;
	v18 =	vmax.f32 v18, $9.999999930e-09  }
0xee: {  	(erf) = vrcp.f32 v18  }
0xef: {  	v17 =	vadd.f32 v17, v23;
	_ =	sdelay $0x6  }
.Ltmp0:
0xf0: {  	(pc) =	sbr.rel @p0 .LBB2_2-.Ltmp0, $3  }
0xf1: {  	v18 =	vpop (erf)  }
0xf2: {  	v17 =	vmul.f32 v18, v17;
	_ =	sdelay $0x1  }
0xf3: {  	v18 =	vmul.f32 v17, v20;
	v19 =	vmul.f32 v17, v21  }
0xf4: {  	_ = 	snop  }
0xf5: {  	v0 =	vmul.f32 v17, v11;
	v1 =	vadd.f32 v19, v4  }
0xf6: {  	v51 =	vmul.f32 v17, v12;
	v3 =	vadd.f32 v18, v3  }
0xf7: {  	v52 =	vmul.f32 v17, v13;
	v0 =	vadd.f32 v0, v5;
	v1 =	vmul.f32 v1, v2  }
0xf8: {  	v53 =	vmul.f32 v17, v16;
	v4 =	vadd.f32 v51, v7;
	v3 =	vmul.f32 v3, v2  }
0xf9: {  	v54 =	vmul.f32 v17, v14;
	v5 =	vadd.f32 v52, v6;
	v0 =	vmul.f32 v0, v2;
	[tilespmem:s11+$0x1080] =	vst v1  }
0xfa: {  	v56 =	vmul.f32 v17, v15;
	v55 =	vadd.f32 v53, v8;
	v57 =	vmul.f32 v4, v2;
	[tilespmem:s11+$0x1000] =	vst v3  }
0xfb: {  	v58 =	vadd.f32 v54, v9;
	v59 =	vmul.f32 v5, v2;
	[tilespmem:s11+$0x1100] =	vst v0  }
0xfc: {  	v60 =	vadd.f32 v56, v10;
	v61 =	vmul.f32 v55, v2;
	[tilespmem:s12+$0x1000] =	vst v57  }
0xfd: {  	v62 =	vmul.f32 v58, v2;
	[tilespmem:s11+$0x1200] =	vst v59  }
0xfe: {  	s10 =	sadd.s32 $0x1, s10;
	v63 =	vmul.f32 v60, v2;
	[tilespmem:s11+$0x1280] =	vst v61  }
0xff: {  	p0 =	sne.s32 s10, s6;
	[tilespmem:s11+$0x1300] =	vst v62  }
.Ltmp1:
0x100: {  	[tilespmem:s13+$0x1000] =	vst v63;
	(pc) =	sbr.rel @p0 .LBB2_1-.Ltmp1, $4  }
0x101: {  	[hbm4b:s5+s2] =	stream.linear.scatter [tilespmem:s9], [sflag:$0x1], $0x1000, $0x38;
	[tilespmem:$0x2200] =	vst v63  }
0x102: {  	_ =	swait.ge [sflag:s7], $0x1000  }
0x103: {  	[sflag:s7] =	ssyncset.done $0x0  }
0x104: {  	[sflag:s7] =	ssyncadd.s32 $0xFFFFF000  }
0x105: {  	_ =	sfence.sel $0x180000  }
0x106: {  	[bflag:$0x0] =	sbarrier.arrive $0xFFFF  }
0x107: {  	p0 =	sne.s32 s1, $0x0;
	_ =	strace $0x90000047  }
0x108: {  	s0 =	sadd.s32 @!p0 $0x100000, s0;
	[bflag:$0x2] =	sbarrier.arrive $0xFFFF  }
0x109: {  	[sflag:s0] =	ssyncadd.tile.s32 @!p0 $0x1;
	_ =	shalt  }
.Lfunc_end2:
_tile_overlayer_lowered:
.L_overlay_start_2:
0x10a: {  	(tag) =	ssettag $0x2  }
0x10b: {  	s0 =	rddreg [dreg:$0x0];
	s2 =	stileid.u32  }
0x10c: {  	s1 =	rddreg [dreg:$0x1];
	p0 =	sne.s32 s2, $0x0  }
0x10d: {  	s3 =	rddreg [dreg:$0x2];
	[bflag:$0x3] =	sbarrier.arrive $0xFFFF;
	s2 =	simm.s32 @!p0 $0x1C01  }
0x10e: {  	[timem:s3], [sflag:s2] =	dma.local @!p0 [hbm:s0], s1  }
0x10f: {  	s0 =	simm.s32 @!p0 $0x1  }
0x110: {  	_ =	swait.ge @!p0 [sflag:s0], s1  }
0x111: {  	s1 =	ssub.s32 @!p0 $0x0, s1;
	[sflag:s0] =	ssyncset.done @!p0 $0x0  }
0x112: {  	[sflag:s0] =	ssyncadd.s32 @!p0 s1  }
0x113: {  	[bflag:$0x3] =	sbarrier.arrive $0xFFFF  }
0x114: {  	_ =	shalt  }

</sc_bundles>
